<compile_context>
chip_gen: v7x
topology: tpu7x:2x2x1
jax: 0.10.2.dev20260603
libtpu: 0.0.44.dev20260713+nightly
codegen_flags: <defaults>
</compile_context>

<pallas_src>
import functools

import jax
import jax.numpy as jnp
import numpy as np
from jax import lax
from jax.experimental import pallas as pl
from jax.experimental.pallas import tpu as pltpu
from jax.experimental.pallas import tpu_sc as plsc

B = 4096
NC = 13
NK = 26
V = 100000
D = 32
BH = 512
TH = 1024
C = NK + 1
CP = 32
FW = CP * D


_NW = 32
_ROWS = B * CP
_RPW = _ROWS // _NW
_CH = 256
_NCH = _RPW // _CH
_NBUF = 8
_GLA = 4


def _sc_gather(tflat, idx):
    mesh = plsc.VectorSubcoreMesh(core_axis_name="c", subcore_axis_name="s")

    @functools.partial(
        pl.kernel,
        mesh=mesh,
        compiler_params=pltpu.CompilerParams(use_tc_tiling_on_sc=False),
        out_type=jax.ShapeDtypeStruct((_ROWS, D), jnp.float32),
        scratch_types=[
            pltpu.VMEM((_RPW,), jnp.int32),
            pltpu.VMEM((_NBUF, _CH, D), jnp.float32),
            pltpu.SemaphoreType.DMA((_NBUF,)),
            pltpu.SemaphoreType.DMA((_NBUF,)),
        ],
    )
    def k(tflat_hbm, idx_hbm, out_hbm, idx_v, rows_v, gsem, osem):
        wid = lax.axis_index("s") * 2 + lax.axis_index("c")
        base = wid * _RPW
        pltpu.sync_copy(idx_hbm.at[pl.ds(base, _RPW)], idx_v)

        def start_g(c):
            pltpu.async_copy(
                tflat_hbm.at[idx_v.at[pl.ds(c * _CH, _CH)]],
                rows_v.at[c % _NBUF], gsem.at[c % _NBUF])

        def wait_g(c):
            pltpu.make_async_copy(
                tflat_hbm.at[idx_v.at[pl.ds(c * _CH, _CH)]],
                rows_v.at[c % _NBUF], gsem.at[c % _NBUF]).wait()

        def start_o(c):
            pltpu.async_copy(
                rows_v.at[c % _NBUF],
                out_hbm.at[pl.ds(base + c * _CH, _CH), :], osem.at[c % _NBUF])

        def wait_o(c):
            pltpu.make_async_copy(
                rows_v.at[c % _NBUF],
                out_hbm.at[pl.ds(base + c * _CH, _CH), :],
                osem.at[c % _NBUF]).wait()

        for c in range(_NCH + _GLA):
            if c < _NCH:
                if c >= _NBUF:
                    wait_o(c - _NBUF)
                start_g(c)
            if c >= _GLA:
                wait_g(c - _GLA)
                start_o(c - _GLA)
        for c in range(_NCH - _NBUF, _NCH):
            wait_o(c)

    return k(tflat, idx)



_BB = 256


def _tc_body(cont, emb, bw1, bb1, bwh, bbh, bwo, bbo, wce, wdot, tb1,
             twh, tbh, two, tbo, out):
    f32 = jnp.float32
    x = jnp.maximum(jnp.dot(cont[...], bw1[...], preferred_element_type=f32)
                    + bb1[...], 0.0)
    x = jnp.maximum(jnp.dot(x, bwh[...], preferred_element_type=f32)
                    + bbh[...], 0.0)
    ce = jax.nn.sigmoid(jnp.dot(x, bwo[...], preferred_element_type=f32)
                        + bbo[...])

    lane = lax.broadcasted_iota(jnp.int32, (_BB, FW), 1)
    f = jnp.where(lane < NK * D, emb[...], 0.0)
    row = lax.broadcasted_iota(jnp.int32, (D, FW), 0)
    col = lax.broadcasted_iota(jnp.int32, (D, FW), 1)
    sel = (col - NK * D == row).astype(f32)
    f = f + jnp.dot(ce, sel, preferred_element_type=f32)

    f3 = f.reshape(_BB, CP, D)
    d3 = lax.dot_general(f3, f3, (((2,), (2,)), ((0,), (0,))),
                         preferred_element_type=f32)
    dv = d3.reshape(_BB, CP * CP)

    y = jnp.maximum(jnp.dot(ce, wce[...], preferred_element_type=f32)
                    + jnp.dot(dv, wdot[...], preferred_element_type=f32)
                    + tb1[...], 0.0)
    y = jnp.maximum(jnp.dot(y, twh[...], preferred_element_type=f32)
                    + tbh[...], 0.0)
    out[...] = jnp.dot(y, two[...], preferred_element_type=f32) + tbo[...]


def _tc_main(cont16, emb, bw1p, bb1, bwh, bbh, bwo, bbo, wce, wdot, tb1,
             twh, tbh, two, tbo):
    nb = B // _BB
    fixed = lambda i: (0, 0)
    return pl.pallas_call(
        _tc_body,
        grid=(nb,),
        in_specs=[
            pl.BlockSpec((_BB, 16), lambda i: (i, 0)),
            pl.BlockSpec((_BB, FW), lambda i: (i, 0)),
            pl.BlockSpec((16, BH), fixed),
            pl.BlockSpec((1, BH), fixed),
            pl.BlockSpec((BH, BH), fixed),
            pl.BlockSpec((1, BH), fixed),
            pl.BlockSpec((BH, D), fixed),
            pl.BlockSpec((1, D), fixed),
            pl.BlockSpec((D, TH), fixed),
            pl.BlockSpec((CP * CP, TH), fixed),
            pl.BlockSpec((1, TH), fixed),
            pl.BlockSpec((TH, TH), fixed),
            pl.BlockSpec((1, TH), fixed),
            pl.BlockSpec((TH, 1), fixed),
            pl.BlockSpec((1, 1), fixed),
        ],
        out_specs=pl.BlockSpec((_BB, 1), lambda i: (i, 0)),
        out_shape=jax.ShapeDtypeStruct((B, 1), jnp.float32),
    )(cont16, emb, bw1p, bb1, bwh, bbh, bwo, bbo, wce, wdot, tb1, twh,
      tbh, two, tbo)



_IU0, _IU1 = np.triu_indices(C)
_PID = np.zeros((CP, CP), np.int32)
_MSK = np.zeros((CP, CP), np.float32)
for _p, (_i, _j) in enumerate(zip(_IU0, _IU1)):
    _PID[_i, _j] = _PID[_j, _i] = _p
    _MSK[_i, _j] = _MSK[_j, _i] = 1.0 if _i == _j else 0.5
_PID_FLAT = _PID.reshape(-1)
_MSK_FLAT = _MSK.reshape(-1)[:, None]


def kernel(continuous, categorical, tables, bw1, bb1, bwh, bbh, bwo, bbo,
           tw1, tb1, twh, tbh, two, tbo):
    tflat = tables.reshape(NK * V, D)
    cat = categorical.astype(jnp.int32) + (jnp.arange(NK, dtype=jnp.int32) * V)[None, :]
    idx = jnp.pad(cat, ((0, 0), (0, CP - NK))).reshape(_ROWS)

    rows = _sc_gather(tflat, idx)
    emb = rows.reshape(B, FW)

    cont16 = jnp.pad(continuous, ((0, 0), (0, 16 - NC)))
    bw1p = jnp.pad(bw1, ((0, 16 - NC), (0, 0)))

    wce = tw1[:D, :]
    wpairs = tw1[D:, :]
    wdot = wpairs[_PID_FLAT] * _MSK_FLAT

    out = _tc_main(cont16, emb,
                   bw1p, bb1[None, :], bwh, bbh[None, :], bwo, bbo[None, :],
                   wce, wdot, tb1[None, :], twh, tbh[None, :], two,
                   tbo[None, :])
    return out

# --- scband reference (transcript-rebuilt; emitter-appended) ---
"""Pipeline reference for scband-dlrm-53721450938756 (READ-ONLY COPY).

The authoritative reference and input builder live on the scoring server;
editing this copy changes nothing except your own understanding.
"""

import jax, jax.numpy as jnp
import numpy as np

B = 4096
NC = 13
NK = 26
V = 100000
D = 32
BH = 512
TH = 1024
TIN = D + (NK + 1) * (NK + 2) // 2


def setup_inputs(seed: int = 0) -> dict:
    key = jax.random.key(seed)
    ks = jax.random.split(key, 16)
    inp = {}
    inp['continuous'] = jax.random.normal(ks[0], (B, NC), dtype=jnp.float32)
    inp['categorical'] = jax.random.randint(ks[1], (B, NK), 0, V)
    inp['tables'] = jax.random.normal(ks[2], (NK, V, D), dtype=jnp.float32) * 0.01
    inp['bw1'] = jax.random.normal(ks[3], (NC, BH), dtype=jnp.float32) * (1.0 / np.sqrt(NC))
    inp['bb1'] = jnp.zeros((BH,), dtype=jnp.float32)
    inp['bwh'] = jax.random.normal(ks[4], (BH, BH), dtype=jnp.float32) * (1.0 / np.sqrt(BH))
    inp['bbh'] = jnp.zeros((BH,), dtype=jnp.float32)
    inp['bwo'] = jax.random.normal(ks[5], (BH, D), dtype=jnp.float32) * (1.0 / np.sqrt(BH))
    inp['bbo'] = jnp.zeros((D,), dtype=jnp.float32)
    inp['tw1'] = jax.random.normal(ks[6], (TIN, TH), dtype=jnp.float32) * (1.0 / np.sqrt(TIN))
    inp['tb1'] = jnp.zeros((TH,), dtype=jnp.float32)
    inp['twh'] = jax.random.normal(ks[7], (TH, TH), dtype=jnp.float32) * (1.0 / np.sqrt(TH))
    inp['tbh'] = jnp.zeros((TH,), dtype=jnp.float32)
    inp['two'] = jax.random.normal(ks[8], (TH, 1), dtype=jnp.float32) * (1.0 / np.sqrt(TH))
    inp['tbo'] = jnp.zeros((1,), dtype=jnp.float32)
    return inp


def reference(continuous, categorical, tables, bw1, bb1, bwh, bbh, bwo, bbo, tw1, tb1, twh, tbh, two, tbo):
    # Bottom MLP (fc1 + ReLU, one hidden Linear+ReLU, output + sigmoid)
    x = jax.nn.relu(continuous @ bw1 + bb1)
    x = jax.nn.relu(x @ bwh + bbh)
    cont_emb = jax.nn.sigmoid(x @ bwo + bbo)
    # Per-feature embedding lookups (gather)
    cat_embs = [tables[i][categorical[:, i]] for i in range(NK)]
    # Feature interaction: stack, pairwise dot, upper-triangle (incl. diagonal)
    features = jnp.stack(cat_embs + [cont_emb], axis=1)  # [B, NK+1, D]
    dotted = jnp.einsum('bcd,bed->bce', features, features)  # [B, C, C]
    iu = jnp.triu_indices(NK + 1)
    flat = dotted[:, iu[0], iu[1]]  # [B, C*(C+1)/2]
    final = jnp.concatenate([cont_emb, flat], axis=1)  # [B, TIN]
    # Top MLP
    y = jax.nn.relu(final @ tw1 + tb1)
    y = jax.nn.relu(y @ twh + tbh)
    out = y @ two + tbo
    return out

if __name__ == "__main__":
    import jax
    _d = setup_inputs()
    print(jax.jit(kernel)(*tuple(_d.values())))

</pallas_src>

<mosaic_0001>
#map = affine_map<(d0, d1) -> (0, 0)>
#map1 = affine_map<(d0, d1) -> (0)>
module attributes {stable_mosaic.version = 14 : i64} {
  func.func @k(%arg0: i32, %arg1: i32, %arg2: memref<2600000x32xf32, #tpu.memory_space<hbm>>, %arg3: memref<131072xi32, #tpu.memory_space<hbm>>, %arg4: memref<131072x32xf32, #tpu.memory_space<hbm>>, %arg5: memref<4096xi32, #tpu.memory_space<vmem>>, %arg6: memref<8x256x32xf32, #tpu.memory_space<vmem>>, %arg7: memref<8x!tpu.dma_semaphore, #tpu.memory_space<semaphore_mem>>, %arg8: memref<8x!tpu.dma_semaphore, #tpu.memory_space<semaphore_mem>>) attributes {dimension_semantics = [#tpu.dimension_semantics<core_parallel>, #tpu.dimension_semantics<subcore_parallel>], iteration_bounds = array<i64: 2, 16>, scalar_prefetch = 0 : i64, scratch_operands = 4 : i64, tpu.core_type = #tpu.core_type<sc_vector_subcore>, window_params = [{transform_indices = #map}, {transform_indices = #map1}, {transform_indices = #map}]} {
    %mul3A = arith.constant 2 : i32
    %mul3A_0 = arith.muli %arg1, %mul3A : i32
    %add3A = arith.addi %mul3A_0, %arg0 : i32
    %mul3A_1 = arith.constant 4096 : i32
    %mul3A_2 = arith.muli %add3A, %mul3A_1 : i32
    "tpu.region"() ({
      %run_scoped3A = tpu.sem_alloc : memref<!tpu.dma_semaphore, #tpu.memory_space<semaphore_mem>>
      %dma_start3A_993 = tpu.memref_slice %arg3[%mul3A_2] : memref<131072xi32, #tpu.memory_space<hbm>> -> memref<4096xi32, #tpu.memory_space<hbm>>
      %dma_start3A_994 = tpu.memref_slice %arg3[%mul3A_2] : memref<131072xi32, #tpu.memory_space<hbm>> -> memref<4096xi32, #tpu.memory_space<hbm>>
      tpu.enqueue_dma source(%dma_start3A_994 : memref<4096xi32, #tpu.memory_space<hbm>>) target(%arg5 : memref<4096xi32, #tpu.memory_space<vmem>>) target_semaphore(%run_scoped3A : memref<!tpu.dma_semaphore, #tpu.memory_space<semaphore_mem>>)
      %dma_wait3A_995 = tpu.memref_slice %arg3[%mul3A_2] : memref<131072xi32, #tpu.memory_space<hbm>> -> memref<4096xi32, #tpu.memory_space<hbm>>
      %dma_wait3A_996 = tpu.memref_slice %arg3[%mul3A_2] : memref<131072xi32, #tpu.memory_space<hbm>> -> memref<4096xi32, #tpu.memory_space<hbm>>
      tpu.wait_dma2 semaphore(%run_scoped3A : memref<!tpu.dma_semaphore, #tpu.memory_space<semaphore_mem>>) src(%dma_wait3A_996 : memref<4096xi32, #tpu.memory_space<hbm>>) dst(%arg5 : memref<4096xi32, #tpu.memory_space<vmem>>)
      tpu.yield
    }) : () -> ()
    %dma_start3A = arith.constant 0 : i32
    %dma_start3A_3 = arith.constant 0 : i32
    %dma_start3A_4 = arith.constant 0 : i32
    %dma_start3A_5 = arith.constant 0 : i32
    %dma_start3A_6 = tpu.memref_slice %arg6[%dma_start3A, %dma_start3A_4, %dma_start3A_5] : memref<8x256x32xf32, #tpu.memory_space<vmem>> -> memref<1x256x32xf32, #tpu.memory_space<vmem>>
    %dma_start3A_7 = tpu.memref_squeeze %dma_start3A_6 : memref<1x256x32xf32, #tpu.memory_space<vmem>> -> memref<256x32xf32, #tpu.memory_space<vmem>>
    %dma_start3A_8 = arith.constant 0 : i32
    %dma_start3A_9 = tpu.memref_slice %arg5[%dma_start3A_8] : memref<4096xi32, #tpu.memory_space<vmem>> -> memref<256xi32, #tpu.memory_space<vmem>>
    %dma_start3A_10 = arith.constant 0 : i32
    %dma_start3A_11 = arith.constant 0 : i32
    %dma_start3A_12 = tpu.memref_slice %arg2[%dma_start3A_10, %dma_start3A_11] : memref<2600000x32xf32, #tpu.memory_space<hbm>> -> memref<2600000x32xf32, #tpu.memory_space<hbm>>
    %dma_start3A_13 = tpu.memref_slice %arg7[%dma_start3A_3] : memref<8x!tpu.dma_semaphore, #tpu.memory_space<semaphore_mem>> -> memref<1x!tpu.dma_semaphore, #tpu.memory_space<semaphore_mem>>
    %dma_start3A_14 = tpu.memref_squeeze %dma_start3A_13 : memref<1x!tpu.dma_semaphore, #tpu.memory_space<semaphore_mem>> -> memref<!tpu.dma_semaphore, #tpu.memory_space<semaphore_mem>>
    tpu.enqueue_indirect_dma source(%dma_start3A_12 : memref<2600000x32xf32, #tpu.memory_space<hbm>>) target(%dma_start3A_7 : memref<256x32xf32, #tpu.memory_space<vmem>>) offsets(%dma_start3A_9 : memref<256xi32, #tpu.memory_space<vmem>>) semaphore(%dma_start3A_14 : memref<!tpu.dma_semaphore, #tpu.memory_space<semaphore_mem>>)
    %dma_start3A_15 = arith.constant 1 : i32
    %dma_start3A_16 = arith.constant 1 : i32
    %dma_start3A_17 = arith.constant 0 : i32
    %dma_start3A_18 = arith.constant 0 : i32
    %dma_start3A_19 = tpu.memref_slice %arg6[%dma_start3A_15, %dma_start3A_17, %dma_start3A_18] : memref<8x256x32xf32, #tpu.memory_space<vmem>> -> memref<1x256x32xf32, #tpu.memory_space<vmem>>
    %dma_start3A_20 = tpu.memref_squeeze %dma_start3A_19 : memref<1x256x32xf32, #tpu.memory_space<vmem>> -> memref<256x32xf32, #tpu.memory_space<vmem>>
    %dma_start3A_21 = arith.constant 256 : i32
    %dma_start3A_22 = tpu.memref_slice %arg5[%dma_start3A_21] : memref<4096xi32, #tpu.memory_space<vmem>> -> memref<256xi32, #tpu.memory_space<vmem>>
    %dma_start3A_23 = arith.constant 0 : i32
    %dma_start3A_24 = arith.constant 0 : i32
    %dma_start3A_25 = tpu.memref_slice %arg2[%dma_start3A_23, %dma_start3A_24] : memref<2600000x32xf32, #tpu.memory_space<hbm>> -> memref<2600000x32xf32, #tpu.memory_space<hbm>>
    %dma_start3A_26 = tpu.memref_slice %arg7[%dma_start3A_16] : memref<8x!tpu.dma_semaphore, #tpu.memory_space<semaphore_mem>> -> memref<1x!tpu.dma_semaphore, #tpu.memory_space<semaphore_mem>>
    %dma_start3A_27 = tpu.memref_squeeze %dma_start3A_26 : memref<1x!tpu.dma_semaphore, #tpu.memory_space<semaphore_mem>> -> memref<!tpu.dma_semaphore, #tpu.memory_space<semaphore_mem>>
    tpu.enqueue_indirect_dma source(%dma_start3A_25 : memref<2600000x32xf32, #tpu.memory_space<hbm>>) target(%dma_start3A_20 : memref<256x32xf32, #tpu.memory_space<vmem>>) offsets(%dma_start3A_22 : memref<256xi32, #tpu.memory_space<vmem>>) semaphore(%dma_start3A_27 : memref<!tpu.dma_semaphore, #tpu.memory_space<semaphore_mem>>)
    %dma_start3A_28 = arith.constant 2 : i32
    %dma_start3A_29 = arith.constant 2 : i32
    %dma_start3A_30 = arith.constant 0 : i32
    %dma_start3A_31 = arith.constant 0 : i32
    %dma_start3A_32 = tpu.memref_slice %arg6[%dma_start3A_28, %dma_start3A_30, %dma_start3A_31] : memref<8x256x32xf32, #tpu.memory_space<vmem>> -> memref<1x256x32xf32, #tpu.memory_space<vmem>>
    %dma_start3A_33 = tpu.memref_squeeze %dma_start3A_32 : memref<1x256x32xf32, #tpu.memory_space<vmem>> -> memref<256x32xf32, #tpu.memory_space<vmem>>
    %dma_start3A_34 = arith.constant 512 : i32
    %dma_start3A_35 = tpu.memref_slice %arg5[%dma_start3A_34] : memref<4096xi32, #tpu.memory_space<vmem>> -> memref<256xi32, #tpu.memory_space<vmem>>
    %dma_start3A_36 = arith.constant 0 : i32
    %dma_start3A_37 = arith.constant 0 : i32
    %dma_start3A_38 = tpu.memref_slice %arg2[%dma_start3A_36, %dma_start3A_37] : memref<2600000x32xf32, #tpu.memory_space<hbm>> -> memref<2600000x32xf32, #tpu.memory_space<hbm>>
    %dma_start3A_39 = tpu.memref_slice %arg7[%dma_start3A_29] : memref<8x!tpu.dma_semaphore, #tpu.memory_space<semaphore_mem>> -> memref<1x!tpu.dma_semaphore, #tpu.memory_space<semaphore_mem>>
    %dma_start3A_40 = tpu.memref_squeeze %dma_start3A_39 : memref<1x!tpu.dma_semaphore, #tpu.memory_space<semaphore_mem>> -> memref<!tpu.dma_semaphore, #tpu.memory_space<semaphore_mem>>
    tpu.enqueue_indirect_dma source(%dma_start3A_38 : memref<2600000x32xf32, #tpu.memory_space<hbm>>) target(%dma_start3A_33 : memref<256x32xf32, #tpu.memory_space<vmem>>) offsets(%dma_start3A_35 : memref<256xi32, #tpu.memory_space<vmem>>) semaphore(%dma_start3A_40 : memref<!tpu.dma_semaphore, #tpu.memory_space<semaphore_mem>>)
    %dma_start3A_41 = arith.constant 3 : i32
    %dma_start3A_42 = arith.constant 3 : i32
    %dma_start3A_43 = arith.constant 0 : i32
    %dma_start3A_44 = arith.constant 0 : i32
    %dma_start3A_45 = tpu.memref_slice %arg6[%dma_start3A_41, %dma_start3A_43, %dma_start3A_44] : memref<8x256x32xf32, #tpu.memory_space<vmem>> -> memref<1x256x32xf32, #tpu.memory_space<vmem>>
    %dma_start3A_46 = tpu.memref_squeeze %dma_start3A_45 : memref<1x256x32xf32, #tpu.memory_space<vmem>> -> memref<256x32xf32, #tpu.memory_space<vmem>>
    %dma_start3A_47 = arith.constant 768 : i32
    %dma_start3A_48 = tpu.memref_slice %arg5[%dma_start3A_47] : memref<4096xi32, #tpu.memory_space<vmem>> -> memref<256xi32, #tpu.memory_space<vmem>>
    %dma_start3A_49 = arith.constant 0 : i32
    %dma_start3A_50 = arith.constant 0 : i32
    %dma_start3A_51 = tpu.memref_slice %arg2[%dma_start3A_49, %dma_start3A_50] : memref<2600000x32xf32, #tpu.memory_space<hbm>> -> memref<2600000x32xf32, #tpu.memory_space<hbm>>
    %dma_start3A_52 = tpu.memref_slice %arg7[%dma_start3A_42] : memref<8x!tpu.dma_semaphore, #tpu.memory_space<semaphore_mem>> -> memref<1x!tpu.dma_semaphore, #tpu.memory_space<semaphore_mem>>
    %dma_start3A_53 = tpu.memref_squeeze %dma_start3A_52 : memref<1x!tpu.dma_semaphore, #tpu.memory_space<semaphore_mem>> -> memref<!tpu.dma_semaphore, #tpu.memory_space<semaphore_mem>>
    tpu.enqueue_indirect_dma source(%dma_start3A_51 : memref<2600000x32xf32, #tpu.memory_space<hbm>>) target(%dma_start3A_46 : memref<256x32xf32, #tpu.memory_space<vmem>>) offsets(%dma_start3A_48 : memref<256xi32, #tpu.memory_space<vmem>>) semaphore(%dma_start3A_53 : memref<!tpu.dma_semaphore, #tpu.memory_space<semaphore_mem>>)
    %dma_start3A_54 = arith.constant 4 : i32
    %dma_start3A_55 = arith.constant 4 : i32
    %dma_start3A_56 = arith.constant 0 : i32
    %dma_start3A_57 = arith.constant 0 : i32
    %dma_start3A_58 = tpu.memref_slice %arg6[%dma_start3A_54, %dma_start3A_56, %dma_start3A_57] : memref<8x256x32xf32, #tpu.memory_space<vmem>> -> memref<1x256x32xf32, #tpu.memory_space<vmem>>
    %dma_start3A_59 = tpu.memref_squeeze %dma_start3A_58 : memref<1x256x32xf32, #tpu.memory_space<vmem>> -> memref<256x32xf32, #tpu.memory_space<vmem>>
    %dma_start3A_60 = arith.constant 1024 : i32
    %dma_start3A_61 = tpu.memref_slice %arg5[%dma_start3A_60] : memref<4096xi32, #tpu.memory_space<vmem>> -> memref<256xi32, #tpu.memory_space<vmem>>
    %dma_start3A_62 = arith.constant 0 : i32
    %dma_start3A_63 = arith.constant 0 : i32
    %dma_start3A_64 = tpu.memref_slice %arg2[%dma_start3A_62, %dma_start3A_63] : memref<2600000x32xf32, #tpu.memory_space<hbm>> -> memref<2600000x32xf32, #tpu.memory_space<hbm>>
    %dma_start3A_65 = tpu.memref_slice %arg7[%dma_start3A_55] : memref<8x!tpu.dma_semaphore, #tpu.memory_space<semaphore_mem>> -> memref<1x!tpu.dma_semaphore, #tpu.memory_space<semaphore_mem>>
    %dma_start3A_66 = tpu.memref_squeeze %dma_start3A_65 : memref<1x!tpu.dma_semaphore, #tpu.memory_space<semaphore_mem>> -> memref<!tpu.dma_semaphore, #tpu.memory_space<semaphore_mem>>
    tpu.enqueue_indirect_dma source(%dma_start3A_64 : memref<2600000x32xf32, #tpu.memory_space<hbm>>) target(%dma_start3A_59 : memref<256x32xf32, #tpu.memory_space<vmem>>) offsets(%dma_start3A_61 : memref<256xi32, #tpu.memory_space<vmem>>) semaphore(%dma_start3A_66 : memref<!tpu.dma_semaphore, #tpu.memory_space<semaphore_mem>>)
    %dma_wait3A = arith.constant 0 : i32
    %dma_wait3A_67 = arith.constant 0 : i32
    %dma_wait3A_68 = arith.constant 0 : i32
    %dma_wait3A_69 = arith.constant 0 : i32
    %dma_wait3A_70 = tpu.memref_slice %arg6[%dma_wait3A, %dma_wait3A_68, %dma_wait3A_69] : memref<8x256x32xf32, #tpu.memory_space<vmem>> -> memref<1x256x32xf32, #tpu.memory_space<vmem>>
    %dma_wait3A_71 = tpu.memref_squeeze %dma_wait3A_70 : memref<1x256x32xf32, #tpu.memory_space<vmem>> -> memref<256x32xf32, #tpu.memory_space<vmem>>
    %dma_wait3A_72 = arith.constant 0 : i32
    %dma_wait3A_73 = tpu.memref_slice %arg5[%dma_wait3A_72] : memref<4096xi32, #tpu.memory_space<vmem>> -> memref<256xi32, #tpu.memory_space<vmem>>
    %dma_wait3A_74 = arith.constant 0 : i32
    %dma_wait3A_75 = arith.constant 0 : i32
    %dma_wait3A_76 = tpu.memref_slice %arg2[%dma_wait3A_74, %dma_wait3A_75] : memref<2600000x32xf32, #tpu.memory_space<hbm>> -> memref<2600000x32xf32, #tpu.memory_space<hbm>>
    %dma_wait3A_77 = tpu.memref_slice %arg7[%dma_wait3A_67] : memref<8x!tpu.dma_semaphore, #tpu.memory_space<semaphore_mem>> -> memref<1x!tpu.dma_semaphore, #tpu.memory_space<semaphore_mem>>
    %dma_wait3A_78 = tpu.memref_squeeze %dma_wait3A_77 : memref<1x!tpu.dma_semaphore, #tpu.memory_space<semaphore_mem>> -> memref<!tpu.dma_semaphore, #tpu.memory_space<semaphore_mem>>
    tpu.wait_indirect_dma semaphore(%dma_wait3A_78 : memref<!tpu.dma_semaphore, #tpu.memory_space<semaphore_mem>>) src(%dma_wait3A_76 : memref<2600000x32xf32, #tpu.memory_space<hbm>>) dst(%dma_wait3A_71 : memref<256x32xf32, #tpu.memory_space<vmem>>)
    %add3A_79 = arith.constant 0 : i32
    %add3A_80 = arith.addi %mul3A_2, %add3A_79 : i32
    %dma_start3A_81 = arith.constant 0 : i32
    %dma_start3A_82 = arith.constant 0 : i32
    %dma_start3A_83 = arith.constant 0 : i32
    %dma_start3A_84 = arith.constant 0 : i32
    %dma_start3A_85 = tpu.memref_slice %arg6[%dma_start3A_81, %dma_start3A_83, %dma_start3A_84] : memref<8x256x32xf32, #tpu.memory_space<vmem>> -> memref<1x256x32xf32, #tpu.memory_space<vmem>>
    %dma_start3A_86 = tpu.memref_squeeze %dma_start3A_85 : memref<1x256x32xf32, #tpu.memory_space<vmem>> -> memref<256x32xf32, #tpu.memory_space<vmem>>
    %dma_start3A_87 = arith.constant 0 : i32
    %dma_start3A_88 = tpu.memref_slice %arg4[%add3A_80, %dma_start3A_87] : memref<131072x32xf32, #tpu.memory_space<hbm>> -> memref<256x32xf32, #tpu.memory_space<hbm>>
    %dma_start3A_89 = tpu.memref_slice %arg8[%dma_start3A_82] : memref<8x!tpu.dma_semaphore, #tpu.memory_space<semaphore_mem>> -> memref<1x!tpu.dma_semaphore, #tpu.memory_space<semaphore_mem>>
    %dma_start3A_90 = tpu.memref_squeeze %dma_start3A_89 : memref<1x!tpu.dma_semaphore, #tpu.memory_space<semaphore_mem>> -> memref<!tpu.dma_semaphore, #tpu.memory_space<semaphore_mem>>
    %dma_start3A_91 = arith.constant 0 : i32
    %dma_start3A_92 = tpu.memref_slice %arg4[%add3A_80, %dma_start3A_91] : memref<131072x32xf32, #tpu.memory_space<hbm>> -> memref<256x32xf32, #tpu.memory_space<hbm>>
    %dma_start3A_93 = arith.constant 0 : i32
    %dma_start3A_94 = arith.constant 0 : i32
    %dma_start3A_95 = tpu.memref_slice %arg6[%dma_start3A_81, %dma_start3A_93, %dma_start3A_94] : memref<8x256x32xf32, #tpu.memory_space<vmem>> -> memref<1x256x32xf32, #tpu.memory_space<vmem>>
    %dma_start3A_96 = tpu.memref_squeeze %dma_start3A_95 : memref<1x256x32xf32, #tpu.memory_space<vmem>> -> memref<256x32xf32, #tpu.memory_space<vmem>>
    tpu.enqueue_dma source(%dma_start3A_96 : memref<256x32xf32, #tpu.memory_space<vmem>>) target(%dma_start3A_92 : memref<256x32xf32, #tpu.memory_space<hbm>>) target_semaphore(%dma_start3A_90 : memref<!tpu.dma_semaphore, #tpu.memory_space<semaphore_mem>>)
    %dma_start3A_97 = arith.constant 5 : i32
    %dma_start3A_98 = arith.constant 5 : i32
    %dma_start3A_99 = arith.constant 0 : i32
    %dma_start3A_100 = arith.constant 0 : i32
    %dma_start3A_101 = tpu.memref_slice %arg6[%dma_start3A_97, %dma_start3A_99, %dma_start3A_100] : memref<8x256x32xf32, #tpu.memory_space<vmem>> -> memref<1x256x32xf32, #tpu.memory_space<vmem>>
    %dma_start3A_102 = tpu.memref_squeeze %dma_start3A_101 : memref<1x256x32xf32, #tpu.memory_space<vmem>> -> memref<256x32xf32, #tpu.memory_space<vmem>>
    %dma_start3A_103 = arith.constant 1280 : i32
    %dma_start3A_104 = tpu.memref_slice %arg5[%dma_start3A_103] : memref<4096xi32, #tpu.memory_space<vmem>> -> memref<256xi32, #tpu.memory_space<vmem>>
    %dma_start3A_105 = arith.constant 0 : i32
    %dma_start3A_106 = arith.constant 0 : i32
    %dma_start3A_107 = tpu.memref_slice %arg2[%dma_start3A_105, %dma_start3A_106] : memref<2600000x32xf32, #tpu.memory_space<hbm>> -> memref<2600000x32xf32, #tpu.memory_space<hbm>>
    %dma_start3A_108 = tpu.memref_slice %arg7[%dma_start3A_98] : memref<8x!tpu.dma_semaphore, #tpu.memory_space<semaphore_mem>> -> memref<1x!tpu.dma_semaphore, #tpu.memory_space<semaphore_mem>>
    %dma_start3A_109 = tpu.memref_squeeze %dma_start3A_108 : memref<1x!tpu.dma_semaphore, #tpu.memory_space<semaphore_mem>> -> memref<!tpu.dma_semaphore, #tpu.memory_space<semaphore_mem>>
    tpu.enqueue_indirect_dma source(%dma_start3A_107 : memref<2600000x32xf32, #tpu.memory_space<hbm>>) target(%dma_start3A_102 : memref<256x32xf32, #tpu.memory_space<vmem>>) offsets(%dma_start3A_104 : memref<256xi32, #tpu.memory_space<vmem>>) semaphore(%dma_start3A_109 : memref<!tpu.dma_semaphore, #tpu.memory_space<semaphore_mem>>)
    %dma_wait3A_110 = arith.constant 1 : i32
    %dma_wait3A_111 = arith.constant 1 : i32
    %dma_wait3A_112 = arith.constant 0 : i32
    %dma_wait3A_113 = arith.constant 0 : i32
    %dma_wait3A_114 = tpu.memref_slice %arg6[%dma_wait3A_110, %dma_wait3A_112, %dma_wait3A_113] : memref<8x256x32xf32, #tpu.memory_space<vmem>> -> memref<1x256x32xf32, #tpu.memory_space<vmem>>
    %dma_wait3A_115 = tpu.memref_squeeze %dma_wait3A_114 : memref<1x256x32xf32, #tpu.memory_space<vmem>> -> memref<256x32xf32, #tpu.memory_space<vmem>>
    %dma_wait3A_116 = arith.constant 256 : i32
    %dma_wait3A_117 = tpu.memref_slice %arg5[%dma_wait3A_116] : memref<4096xi32, #tpu.memory_space<vmem>> -> memref<256xi32, #tpu.memory_space<vmem>>
    %dma_wait3A_118 = arith.constant 0 : i32
    %dma_wait3A_119 = arith.constant 0 : i32
    %dma_wait3A_120 = tpu.memref_slice %arg2[%dma_wait3A_118, %dma_wait3A_119] : memref<2600000x32xf32, #tpu.memory_space<hbm>> -> memref<2600000x32xf32, #tpu.memory_space<hbm>>
    %dma_wait3A_121 = tpu.memref_slice %arg7[%dma_wait3A_111] : memref<8x!tpu.dma_semaphore, #tpu.memory_space<semaphore_mem>> -> memref<1x!tpu.dma_semaphore, #tpu.memory_space<semaphore_mem>>
    %dma_wait3A_122 = tpu.memref_squeeze %dma_wait3A_121 : memref<1x!tpu.dma_semaphore, #tpu.memory_space<semaphore_mem>> -> memref<!tpu.dma_semaphore, #tpu.memory_space<semaphore_mem>>
    tpu.wait_indirect_dma semaphore(%dma_wait3A_122 : memref<!tpu.dma_semaphore, #tpu.memory_space<semaphore_mem>>) src(%dma_wait3A_120 : memref<2600000x32xf32, #tpu.memory_space<hbm>>) dst(%dma_wait3A_115 : memref<256x32xf32, #tpu.memory_space<vmem>>)
    %add3A_123 = arith.constant 256 : i32
    %add3A_124 = arith.addi %mul3A_2, %add3A_123 : i32
    %dma_start3A_125 = arith.constant 1 : i32
    %dma_start3A_126 = arith.constant 1 : i32
    %dma_start3A_127 = arith.constant 0 : i32
    %dma_start3A_128 = arith.constant 0 : i32
    %dma_start3A_129 = tpu.memref_slice %arg6[%dma_start3A_125, %dma_start3A_127, %dma_start3A_128] : memref<8x256x32xf32, #tpu.memory_space<vmem>> -> memref<1x256x32xf32, #tpu.memory_space<vmem>>
    %dma_start3A_130 = tpu.memref_squeeze %dma_start3A_129 : memref<1x256x32xf32, #tpu.memory_space<vmem>> -> memref<256x32xf32, #tpu.memory_space<vmem>>
    %dma_start3A_131 = arith.constant 0 : i32
    %dma_start3A_132 = tpu.memref_slice %arg4[%add3A_124, %dma_start3A_131] : memref<131072x32xf32, #tpu.memory_space<hbm>> -> memref<256x32xf32, #tpu.memory_space<hbm>>
    %dma_start3A_133 = tpu.memref_slice %arg8[%dma_start3A_126] : memref<8x!tpu.dma_semaphore, #tpu.memory_space<semaphore_mem>> -> memref<1x!tpu.dma_semaphore, #tpu.memory_space<semaphore_mem>>
    %dma_start3A_134 = tpu.memref_squeeze %dma_start3A_133 : memref<1x!tpu.dma_semaphore, #tpu.memory_space<semaphore_mem>> -> memref<!tpu.dma_semaphore, #tpu.memory_space<semaphore_mem>>
    %dma_start3A_135 = arith.constant 0 : i32
    %dma_start3A_136 = tpu.memref_slice %arg4[%add3A_124, %dma_start3A_135] : memref<131072x32xf32, #tpu.memory_space<hbm>> -> memref<256x32xf32, #tpu.memory_space<hbm>>
    %dma_start3A_137 = arith.constant 0 : i32
    %dma_start3A_138 = arith.constant 0 : i32
    %dma_start3A_139 = tpu.memref_slice %arg6[%dma_start3A_125, %dma_start3A_137, %dma_start3A_138] : memref<8x256x32xf32, #tpu.memory_space<vmem>> -> memref<1x256x32xf32, #tpu.memory_space<vmem>>
    %dma_start3A_140 = tpu.memref_squeeze %dma_start3A_139 : memref<1x256x32xf32, #tpu.memory_space<vmem>> -> memref<256x32xf32, #tpu.memory_space<vmem>>
    tpu.enqueue_dma source(%dma_start3A_140 : memref<256x32xf32, #tpu.memory_space<vmem>>) target(%dma_start3A_136 : memref<256x32xf32, #tpu.memory_space<hbm>>) target_semaphore(%dma_start3A_134 : memref<!tpu.dma_semaphore, #tpu.memory_space<semaphore_mem>>)
    %dma_start3A_141 = arith.constant 6 : i32
    %dma_start3A_142 = arith.constant 6 : i32
    %dma_start3A_143 = arith.constant 0 : i32
    %dma_start3A_144 = arith.constant 0 : i32
    %dma_start3A_145 = tpu.memref_slice %arg6[%dma_start3A_141, %dma_start3A_143, %dma_start3A_144] : memref<8x256x32xf32, #tpu.memory_space<vmem>> -> memref<1x256x32xf32, #tpu.memory_space<vmem>>
    %dma_start3A_146 = tpu.memref_squeeze %dma_start3A_145 : memref<1x256x32xf32, #tpu.memory_space<vmem>> -> memref<256x32xf32, #tpu.memory_space<vmem>>
    %dma_start3A_147 = arith.constant 1536 : i32
    %dma_start3A_148 = tpu.memref_slice %arg5[%dma_start3A_147] : memref<4096xi32, #tpu.memory_space<vmem>> -> memref<256xi32, #tpu.memory_space<vmem>>
    %dma_start3A_149 = arith.constant 0 : i32
    %dma_start3A_150 = arith.constant 0 : i32
    %dma_start3A_151 = tpu.memref_slice %arg2[%dma_start3A_149, %dma_start3A_150] : memref<2600000x32xf32, #tpu.memory_space<hbm>> -> memref<2600000x32xf32, #tpu.memory_space<hbm>>
    %dma_start3A_152 = tpu.memref_slice %arg7[%dma_start3A_142] : memref<8x!tpu.dma_semaphore, #tpu.memory_space<semaphore_mem>> -> memref<1x!tpu.dma_semaphore, #tpu.memory_space<semaphore_mem>>
    %dma_start3A_153 = tpu.memref_squeeze %dma_start3A_152 : memref<1x!tpu.dma_semaphore, #tpu.memory_space<semaphore_mem>> -> memref<!tpu.dma_semaphore, #tpu.memory_space<semaphore_mem>>
    tpu.enqueue_indirect_dma source(%dma_start3A_151 : memref<2600000x32xf32, #tpu.memory_space<hbm>>) target(%dma_start3A_146 : memref<256x32xf32, #tpu.memory_space<vmem>>) offsets(%dma_start3A_148 : memref<256xi32, #tpu.memory_space<vmem>>) semaphore(%dma_start3A_153 : memref<!tpu.dma_semaphore, #tpu.memory_space<semaphore_mem>>)
    %dma_wait3A_154 = arith.constant 2 : i32
    %dma_wait3A_155 = arith.constant 2 : i32
    %dma_wait3A_156 = arith.constant 0 : i32
    %dma_wait3A_157 = arith.constant 0 : i32
    %dma_wait3A_158 = tpu.memref_slice %arg6[%dma_wait3A_154, %dma_wait3A_156, %dma_wait3A_157] : memref<8x256x32xf32, #tpu.memory_space<vmem>> -> memref<1x256x32xf32, #tpu.memory_space<vmem>>
    %dma_wait3A_159 = tpu.memref_squeeze %dma_wait3A_158 : memref<1x256x32xf32, #tpu.memory_space<vmem>> -> memref<256x32xf32, #tpu.memory_space<vmem>>
    %dma_wait3A_160 = arith.constant 512 : i32
    %dma_wait3A_161 = tpu.memref_slice %arg5[%dma_wait3A_160] : memref<4096xi32, #tpu.memory_space<vmem>> -> memref<256xi32, #tpu.memory_space<vmem>>
    %dma_wait3A_162 = arith.constant 0 : i32
    %dma_wait3A_163 = arith.constant 0 : i32
    %dma_wait3A_164 = tpu.memref_slice %arg2[%dma_wait3A_162, %dma_wait3A_163] : memref<2600000x32xf32, #tpu.memory_space<hbm>> -> memref<2600000x32xf32, #tpu.memory_space<hbm>>
    %dma_wait3A_165 = tpu.memref_slice %arg7[%dma_wait3A_155] : memref<8x!tpu.dma_semaphore, #tpu.memory_space<semaphore_mem>> -> memref<1x!tpu.dma_semaphore, #tpu.memory_space<semaphore_mem>>
    %dma_wait3A_166 = tpu.memref_squeeze %dma_wait3A_165 : memref<1x!tpu.dma_semaphore, #tpu.memory_space<semaphore_mem>> -> memref<!tpu.dma_semaphore, #tpu.memory_space<semaphore_mem>>
    tpu.wait_indirect_dma semaphore(%dma_wait3A_166 : memref<!tpu.dma_semaphore, #tpu.memory_space<semaphore_mem>>) src(%dma_wait3A_164 : memref<2600000x32xf32, #tpu.memory_space<hbm>>) dst(%dma_wait3A_159 : memref<256x32xf32, #tpu.memory_space<vmem>>)
    %add3A_167 = arith.constant 512 : i32
    %add3A_168 = arith.addi %mul3A_2, %add3A_167 : i32
    %dma_start3A_169 = arith.constant 2 : i32
    %dma_start3A_170 = arith.constant 2 : i32
    %dma_start3A_171 = arith.constant 0 : i32
    %dma_start3A_172 = arith.constant 0 : i32
    %dma_start3A_173 = tpu.memref_slice %arg6[%dma_start3A_169, %dma_start3A_171, %dma_start3A_172] : memref<8x256x32xf32, #tpu.memory_space<vmem>> -> memref<1x256x32xf32, #tpu.memory_space<vmem>>
    %dma_start3A_174 = tpu.memref_squeeze %dma_start3A_173 : memref<1x256x32xf32, #tpu.memory_space<vmem>> -> memref<256x32xf32, #tpu.memory_space<vmem>>
    %dma_start3A_175 = arith.constant 0 : i32
    %dma_start3A_176 = tpu.memref_slice %arg4[%add3A_168, %dma_start3A_175] : memref<131072x32xf32, #tpu.memory_space<hbm>> -> memref<256x32xf32, #tpu.memory_space<hbm>>
    %dma_start3A_177 = tpu.memref_slice %arg8[%dma_start3A_170] : memref<8x!tpu.dma_semaphore, #tpu.memory_space<semaphore_mem>> -> memref<1x!tpu.dma_semaphore, #tpu.memory_space<semaphore_mem>>
    %dma_start3A_178 = tpu.memref_squeeze %dma_start3A_177 : memref<1x!tpu.dma_semaphore, #tpu.memory_space<semaphore_mem>> -> memref<!tpu.dma_semaphore, #tpu.memory_space<semaphore_mem>>
    %dma_start3A_179 = arith.constant 0 : i32
    %dma_start3A_180 = tpu.memref_slice %arg4[%add3A_168, %dma_start3A_179] : memref<131072x32xf32, #tpu.memory_space<hbm>> -> memref<256x32xf32, #tpu.memory_space<hbm>>
    %dma_start3A_181 = arith.constant 0 : i32
    %dma_start3A_182 = arith.constant 0 : i32
    %dma_start3A_183 = tpu.memref_slice %arg6[%dma_start3A_169, %dma_start3A_181, %dma_start3A_182] : memref<8x256x32xf32, #tpu.memory_space<vmem>> -> memref<1x256x32xf32, #tpu.memory_space<vmem>>
    %dma_start3A_184 = tpu.memref_squeeze %dma_start3A_183 : memref<1x256x32xf32, #tpu.memory_space<vmem>> -> memref<256x32xf32, #tpu.memory_space<vmem>>
    tpu.enqueue_dma source(%dma_start3A_184 : memref<256x32xf32, #tpu.memory_space<vmem>>) target(%dma_start3A_180 : memref<256x32xf32, #tpu.memory_space<hbm>>) target_semaphore(%dma_start3A_178 : memref<!tpu.dma_semaphore, #tpu.memory_space<semaphore_mem>>)
    %dma_start3A_185 = arith.constant 7 : i32
    %dma_start3A_186 = arith.constant 7 : i32
    %dma_start3A_187 = arith.constant 0 : i32
    %dma_start3A_188 = arith.constant 0 : i32
    %dma_start3A_189 = tpu.memref_slice %arg6[%dma_start3A_185, %dma_start3A_187, %dma_start3A_188] : memref<8x256x32xf32, #tpu.memory_space<vmem>> -> memref<1x256x32xf32, #tpu.memory_space<vmem>>
    %dma_start3A_190 = tpu.memref_squeeze %dma_start3A_189 : memref<1x256x32xf32, #tpu.memory_space<vmem>> -> memref<256x32xf32, #tpu.memory_space<vmem>>
    %dma_start3A_191 = arith.constant 1792 : i32
    %dma_start3A_192 = tpu.memref_slice %arg5[%dma_start3A_191] : memref<4096xi32, #tpu.memory_space<vmem>> -> memref<256xi32, #tpu.memory_space<vmem>>
    %dma_start3A_193 = arith.constant 0 : i32
    %dma_start3A_194 = arith.constant 0 : i32
    %dma_start3A_195 = tpu.memref_slice %arg2[%dma_start3A_193, %dma_start3A_194] : memref<2600000x32xf32, #tpu.memory_space<hbm>> -> memref<2600000x32xf32, #tpu.memory_space<hbm>>
    %dma_start3A_196 = tpu.memref_slice %arg7[%dma_start3A_186] : memref<8x!tpu.dma_semaphore, #tpu.memory_space<semaphore_mem>> -> memref<1x!tpu.dma_semaphore, #tpu.memory_space<semaphore_mem>>
    %dma_start3A_197 = tpu.memref_squeeze %dma_start3A_196 : memref<1x!tpu.dma_semaphore, #tpu.memory_space<semaphore_mem>> -> memref<!tpu.dma_semaphore, #tpu.memory_space<semaphore_mem>>
    tpu.enqueue_indirect_dma source(%dma_start3A_195 : memref<2600000x32xf32, #tpu.memory_space<hbm>>) target(%dma_start3A_190 : memref<256x32xf32, #tpu.memory_space<vmem>>) offsets(%dma_start3A_192 : memref<256xi32, #tpu.memory_space<vmem>>) semaphore(%dma_start3A_197 : memref<!tpu.dma_semaphore, #tpu.memory_space<semaphore_mem>>)
    %dma_wait3A_198 = arith.constant 3 : i32
    %dma_wait3A_199 = arith.constant 3 : i32
    %dma_wait3A_200 = arith.constant 0 : i32
    %dma_wait3A_201 = arith.constant 0 : i32
    %dma_wait3A_202 = tpu.memref_slice %arg6[%dma_wait3A_198, %dma_wait3A_200, %dma_wait3A_201] : memref<8x256x32xf32, #tpu.memory_space<vmem>> -> memref<1x256x32xf32, #tpu.memory_space<vmem>>
    %dma_wait3A_203 = tpu.memref_squeeze %dma_wait3A_202 : memref<1x256x32xf32, #tpu.memory_space<vmem>> -> memref<256x32xf32, #tpu.memory_space<vmem>>
    %dma_wait3A_204 = arith.constant 768 : i32
    %dma_wait3A_205 = tpu.memref_slice %arg5[%dma_wait3A_204] : memref<4096xi32, #tpu.memory_space<vmem>> -> memref<256xi32, #tpu.memory_space<vmem>>
    %dma_wait3A_206 = arith.constant 0 : i32
    %dma_wait3A_207 = arith.constant 0 : i32
    %dma_wait3A_208 = tpu.memref_slice %arg2[%dma_wait3A_206, %dma_wait3A_207] : memref<2600000x32xf32, #tpu.memory_space<hbm>> -> memref<2600000x32xf32, #tpu.memory_space<hbm>>
    %dma_wait3A_209 = tpu.memref_slice %arg7[%dma_wait3A_199] : memref<8x!tpu.dma_semaphore, #tpu.memory_space<semaphore_mem>> -> memref<1x!tpu.dma_semaphore, #tpu.memory_space<semaphore_mem>>
    %dma_wait3A_210 = tpu.memref_squeeze %dma_wait3A_209 : memref<1x!tpu.dma_semaphore, #tpu.memory_space<semaphore_mem>> -> memref<!tpu.dma_semaphore, #tpu.memory_space<semaphore_mem>>
    tpu.wait_indirect_dma semaphore(%dma_wait3A_210 : memref<!tpu.dma_semaphore, #tpu.memory_space<semaphore_mem>>) src(%dma_wait3A_208 : memref<2600000x32xf32, #tpu.memory_space<hbm>>) dst(%dma_wait3A_203 : memref<256x32xf32, #tpu.memory_space<vmem>>)
    %add3A_211 = arith.constant 768 : i32
    %add3A_212 = arith.addi %mul3A_2, %add3A_211 : i32
    %dma_start3A_213 = arith.constant 3 : i32
    %dma_start3A_214 = arith.constant 3 : i32
    %dma_start3A_215 = arith.constant 0 : i32
    %dma_start3A_216 = arith.constant 0 : i32
    %dma_start3A_217 = tpu.memref_slice %arg6[%dma_start3A_213, %dma_start3A_215, %dma_start3A_216] : memref<8x256x32xf32, #tpu.memory_space<vmem>> -> memref<1x256x32xf32, #tpu.memory_space<vmem>>
    %dma_start3A_218 = tpu.memref_squeeze %dma_start3A_217 : memref<1x256x32xf32, #tpu.memory_space<vmem>> -> memref<256x32xf32, #tpu.memory_space<vmem>>
    %dma_start3A_219 = arith.constant 0 : i32
    %dma_start3A_220 = tpu.memref_slice %arg4[%add3A_212, %dma_start3A_219] : memref<131072x32xf32, #tpu.memory_space<hbm>> -> memref<256x32xf32, #tpu.memory_space<hbm>>
    %dma_start3A_221 = tpu.memref_slice %arg8[%dma_start3A_214] : memref<8x!tpu.dma_semaphore, #tpu.memory_space<semaphore_mem>> -> memref<1x!tpu.dma_semaphore, #tpu.memory_space<semaphore_mem>>
    %dma_start3A_222 = tpu.memref_squeeze %dma_start3A_221 : memref<1x!tpu.dma_semaphore, #tpu.memory_space<semaphore_mem>> -> memref<!tpu.dma_semaphore, #tpu.memory_space<semaphore_mem>>
    %dma_start3A_223 = arith.constant 0 : i32
    %dma_start3A_224 = tpu.memref_slice %arg4[%add3A_212, %dma_start3A_223] : memref<131072x32xf32, #tpu.memory_space<hbm>> -> memref<256x32xf32, #tpu.memory_space<hbm>>
    %dma_start3A_225 = arith.constant 0 : i32
    %dma_start3A_226 = arith.constant 0 : i32
    %dma_start3A_227 = tpu.memref_slice %arg6[%dma_start3A_213, %dma_start3A_225, %dma_start3A_226] : memref<8x256x32xf32, #tpu.memory_space<vmem>> -> memref<1x256x32xf32, #tpu.memory_space<vmem>>
    %dma_start3A_228 = tpu.memref_squeeze %dma_start3A_227 : memref<1x256x32xf32, #tpu.memory_space<vmem>> -> memref<256x32xf32, #tpu.memory_space<vmem>>
    tpu.enqueue_dma source(%dma_start3A_228 : memref<256x32xf32, #tpu.memory_space<vmem>>) target(%dma_start3A_224 : memref<256x32xf32, #tpu.memory_space<hbm>>) target_semaphore(%dma_start3A_222 : memref<!tpu.dma_semaphore, #tpu.memory_space<semaphore_mem>>)
    %add3A_229 = arith.constant 0 : i32
    %add3A_230 = arith.addi %mul3A_2, %add3A_229 : i32
    %dma_wait3A_231 = arith.constant 0 : i32
    %dma_wait3A_232 = arith.constant 0 : i32
    %dma_wait3A_233 = arith.constant 0 : i32
    %dma_wait3A_234 = arith.constant 0 : i32
    %dma_wait3A_235 = tpu.memref_slice %arg6[%dma_wait3A_231, %dma_wait3A_233, %dma_wait3A_234] : memref<8x256x32xf32, #tpu.memory_space<vmem>> -> memref<1x256x32xf32, #tpu.memory_space<vmem>>
    %dma_wait3A_236 = tpu.memref_squeeze %dma_wait3A_235 : memref<1x256x32xf32, #tpu.memory_space<vmem>> -> memref<256x32xf32, #tpu.memory_space<vmem>>
    %dma_wait3A_237 = arith.constant 0 : i32
    %dma_wait3A_238 = tpu.memref_slice %arg4[%add3A_230, %dma_wait3A_237] : memref<131072x32xf32, #tpu.memory_space<hbm>> -> memref<256x32xf32, #tpu.memory_space<hbm>>
    %dma_wait3A_239 = tpu.memref_slice %arg8[%dma_wait3A_232] : memref<8x!tpu.dma_semaphore, #tpu.memory_space<semaphore_mem>> -> memref<1x!tpu.dma_semaphore, #tpu.memory_space<semaphore_mem>>
    %dma_wait3A_240 = tpu.memref_squeeze %dma_wait3A_239 : memref<1x!tpu.dma_semaphore, #tpu.memory_space<semaphore_mem>> -> memref<!tpu.dma_semaphore, #tpu.memory_space<semaphore_mem>>
    %dma_wait3A_241 = arith.constant 0 : i32
    %dma_wait3A_242 = tpu.memref_slice %arg4[%add3A_230, %dma_wait3A_241] : memref<131072x32xf32, #tpu.memory_space<hbm>> -> memref<256x32xf32, #tpu.memory_space<hbm>>
    %dma_wait3A_243 = arith.constant 0 : i32
    %dma_wait3A_244 = arith.constant 0 : i32
    %dma_wait3A_245 = tpu.memref_slice %arg6[%dma_wait3A_231, %dma_wait3A_243, %dma_wait3A_244] : memref<8x256x32xf32, #tpu.memory_space<vmem>> -> memref<1x256x32xf32, #tpu.memory_space<vmem>>
    %dma_wait3A_246 = tpu.memref_squeeze %dma_wait3A_245 : memref<1x256x32xf32, #tpu.memory_space<vmem>> -> memref<256x32xf32, #tpu.memory_space<vmem>>
    tpu.wait_dma2 semaphore(%dma_wait3A_240 : memref<!tpu.dma_semaphore, #tpu.memory_space<semaphore_mem>>) src(%dma_wait3A_246 : memref<256x32xf32, #tpu.memory_space<vmem>>) dst(%dma_wait3A_242 : memref<256x32xf32, #tpu.memory_space<hbm>>)
    %dma_start3A_247 = arith.constant 0 : i32
    %dma_start3A_248 = arith.constant 0 : i32
    %dma_start3A_249 = arith.constant 0 : i32
    %dma_start3A_250 = arith.constant 0 : i32
    %dma_start3A_251 = tpu.memref_slice %arg6[%dma_start3A_247, %dma_start3A_249, %dma_start3A_250] : memref<8x256x32xf32, #tpu.memory_space<vmem>> -> memref<1x256x32xf32, #tpu.memory_space<vmem>>
    %dma_start3A_252 = tpu.memref_squeeze %dma_start3A_251 : memref<1x256x32xf32, #tpu.memory_space<vmem>> -> memref<256x32xf32, #tpu.memory_space<vmem>>
    %dma_start3A_253 = arith.constant 2048 : i32
    %dma_start3A_254 = tpu.memref_slice %arg5[%dma_start3A_253] : memref<4096xi32, #tpu.memory_space<vmem>> -> memref<256xi32, #tpu.memory_space<vmem>>
    %dma_start3A_255 = arith.constant 0 : i32
    %dma_start3A_256 = arith.constant 0 : i32
    %dma_start3A_257 = tpu.memref_slice %arg2[%dma_start3A_255, %dma_start3A_256] : memref<2600000x32xf32, #tpu.memory_space<hbm>> -> memref<2600000x32xf32, #tpu.memory_space<hbm>>
    %dma_start3A_258 = tpu.memref_slice %arg7[%dma_start3A_248] : memref<8x!tpu.dma_semaphore, #tpu.memory_space<semaphore_mem>> -> memref<1x!tpu.dma_semaphore, #tpu.memory_space<semaphore_mem>>
    %dma_start3A_259 = tpu.memref_squeeze %dma_start3A_258 : memref<1x!tpu.dma_semaphore, #tpu.memory_space<semaphore_mem>> -> memref<!tpu.dma_semaphore, #tpu.memory_space<semaphore_mem>>
    tpu.enqueue_indirect_dma source(%dma_start3A_257 : memref<2600000x32xf32, #tpu.memory_space<hbm>>) target(%dma_start3A_252 : memref<256x32xf32, #tpu.memory_space<vmem>>) offsets(%dma_start3A_254 : memref<256xi32, #tpu.memory_space<vmem>>) semaphore(%dma_start3A_259 : memref<!tpu.dma_semaphore, #tpu.memory_space<semaphore_mem>>)
    %dma_wait3A_260 = arith.constant 4 : i32
    %dma_wait3A_261 = arith.constant 4 : i32
    %dma_wait3A_262 = arith.constant 0 : i32
    %dma_wait3A_263 = arith.constant 0 : i32
    %dma_wait3A_264 = tpu.memref_slice %arg6[%dma_wait3A_260, %dma_wait3A_262, %dma_wait3A_263] : memref<8x256x32xf32, #tpu.memory_space<vmem>> -> memref<1x256x32xf32, #tpu.memory_space<vmem>>
    %dma_wait3A_265 = tpu.memref_squeeze %dma_wait3A_264 : memref<1x256x32xf32, #tpu.memory_space<vmem>> -> memref<256x32xf32, #tpu.memory_space<vmem>>
    %dma_wait3A_266 = arith.constant 1024 : i32
    %dma_wait3A_267 = tpu.memref_slice %arg5[%dma_wait3A_266] : memref<4096xi32, #tpu.memory_space<vmem>> -> memref<256xi32, #tpu.memory_space<vmem>>
    %dma_wait3A_268 = arith.constant 0 : i32
    %dma_wait3A_269 = arith.constant 0 : i32
    %dma_wait3A_270 = tpu.memref_slice %arg2[%dma_wait3A_268, %dma_wait3A_269] : memref<2600000x32xf32, #tpu.memory_space<hbm>> -> memref<2600000x32xf32, #tpu.memory_space<hbm>>
    %dma_wait3A_271 = tpu.memref_slice %arg7[%dma_wait3A_261] : memref<8x!tpu.dma_semaphore, #tpu.memory_space<semaphore_mem>> -> memref<1x!tpu.dma_semaphore, #tpu.memory_space<semaphore_mem>>
    %dma_wait3A_272 = tpu.memref_squeeze %dma_wait3A_271 : memref<1x!tpu.dma_semaphore, #tpu.memory_space<semaphore_mem>> -> memref<!tpu.dma_semaphore, #tpu.memory_space<semaphore_mem>>
    tpu.wait_indirect_dma semaphore(%dma_wait3A_272 : memref<!tpu.dma_semaphore, #tpu.memory_space<semaphore_mem>>) src(%dma_wait3A_270 : memref<2600000x32xf32, #tpu.memory_space<hbm>>) dst(%dma_wait3A_265 : memref<256x32xf32, #tpu.memory_space<vmem>>)
    %add3A_273 = arith.constant 1024 : i32
    %add3A_274 = arith.addi %mul3A_2, %add3A_273 : i32
    %dma_start3A_275 = arith.constant 4 : i32
    %dma_start3A_276 = arith.constant 4 : i32
    %dma_start3A_277 = arith.constant 0 : i32
    %dma_start3A_278 = arith.constant 0 : i32
    %dma_start3A_279 = tpu.memref_slice %arg6[%dma_start3A_275, %dma_start3A_277, %dma_start3A_278] : memref<8x256x32xf32, #tpu.memory_space<vmem>> -> memref<1x256x32xf32, #tpu.memory_space<vmem>>
    %dma_start3A_280 = tpu.memref_squeeze %dma_start3A_279 : memref<1x256x32xf32, #tpu.memory_space<vmem>> -> memref<256x32xf32, #tpu.memory_space<vmem>>
    %dma_start3A_281 = arith.constant 0 : i32
    %dma_start3A_282 = tpu.memref_slice %arg4[%add3A_274, %dma_start3A_281] : memref<131072x32xf32, #tpu.memory_space<hbm>> -> memref<256x32xf32, #tpu.memory_space<hbm>>
    %dma_start3A_283 = tpu.memref_slice %arg8[%dma_start3A_276] : memref<8x!tpu.dma_semaphore, #tpu.memory_space<semaphore_mem>> -> memref<1x!tpu.dma_semaphore, #tpu.memory_space<semaphore_mem>>
    %dma_start3A_284 = tpu.memref_squeeze %dma_start3A_283 : memref<1x!tpu.dma_semaphore, #tpu.memory_space<semaphore_mem>> -> memref<!tpu.dma_semaphore, #tpu.memory_space<semaphore_mem>>
    %dma_start3A_285 = arith.constant 0 : i32
    %dma_start3A_286 = tpu.memref_slice %arg4[%add3A_274, %dma_start3A_285] : memref<131072x32xf32, #tpu.memory_space<hbm>> -> memref<256x32xf32, #tpu.memory_space<hbm>>
    %dma_start3A_287 = arith.constant 0 : i32
    %dma_start3A_288 = arith.constant 0 : i32
    %dma_start3A_289 = tpu.memref_slice %arg6[%dma_start3A_275, %dma_start3A_287, %dma_start3A_288] : memref<8x256x32xf32, #tpu.memory_space<vmem>> -> memref<1x256x32xf32, #tpu.memory_space<vmem>>
    %dma_start3A_290 = tpu.memref_squeeze %dma_start3A_289 : memref<1x256x32xf32, #tpu.memory_space<vmem>> -> memref<256x32xf32, #tpu.memory_space<vmem>>
    tpu.enqueue_dma source(%dma_start3A_290 : memref<256x32xf32, #tpu.memory_space<vmem>>) target(%dma_start3A_286 : memref<256x32xf32, #tpu.memory_space<hbm>>) target_semaphore(%dma_start3A_284 : memref<!tpu.dma_semaphore, #tpu.memory_space<semaphore_mem>>)
    %add3A_291 = arith.constant 256 : i32
    %add3A_292 = arith.addi %mul3A_2, %add3A_291 : i32
    %dma_wait3A_293 = arith.constant 1 : i32
    %dma_wait3A_294 = arith.constant 1 : i32
    %dma_wait3A_295 = arith.constant 0 : i32
    %dma_wait3A_296 = arith.constant 0 : i32
    %dma_wait3A_297 = tpu.memref_slice %arg6[%dma_wait3A_293, %dma_wait3A_295, %dma_wait3A_296] : memref<8x256x32xf32, #tpu.memory_space<vmem>> -> memref<1x256x32xf32, #tpu.memory_space<vmem>>
    %dma_wait3A_298 = tpu.memref_squeeze %dma_wait3A_297 : memref<1x256x32xf32, #tpu.memory_space<vmem>> -> memref<256x32xf32, #tpu.memory_space<vmem>>
    %dma_wait3A_299 = arith.constant 0 : i32
    %dma_wait3A_300 = tpu.memref_slice %arg4[%add3A_292, %dma_wait3A_299] : memref<131072x32xf32, #tpu.memory_space<hbm>> -> memref<256x32xf32, #tpu.memory_space<hbm>>
    %dma_wait3A_301 = tpu.memref_slice %arg8[%dma_wait3A_294] : memref<8x!tpu.dma_semaphore, #tpu.memory_space<semaphore_mem>> -> memref<1x!tpu.dma_semaphore, #tpu.memory_space<semaphore_mem>>
    %dma_wait3A_302 = tpu.memref_squeeze %dma_wait3A_301 : memref<1x!tpu.dma_semaphore, #tpu.memory_space<semaphore_mem>> -> memref<!tpu.dma_semaphore, #tpu.memory_space<semaphore_mem>>
    %dma_wait3A_303 = arith.constant 0 : i32
    %dma_wait3A_304 = tpu.memref_slice %arg4[%add3A_292, %dma_wait3A_303] : memref<131072x32xf32, #tpu.memory_space<hbm>> -> memref<256x32xf32, #tpu.memory_space<hbm>>
    %dma_wait3A_305 = arith.constant 0 : i32
    %dma_wait3A_306 = arith.constant 0 : i32
    %dma_wait3A_307 = tpu.memref_slice %arg6[%dma_wait3A_293, %dma_wait3A_305, %dma_wait3A_306] : memref<8x256x32xf32, #tpu.memory_space<vmem>> -> memref<1x256x32xf32, #tpu.memory_space<vmem>>
    %dma_wait3A_308 = tpu.memref_squeeze %dma_wait3A_307 : memref<1x256x32xf32, #tpu.memory_space<vmem>> -> memref<256x32xf32, #tpu.memory_space<vmem>>
    tpu.wait_dma2 semaphore(%dma_wait3A_302 : memref<!tpu.dma_semaphore, #tpu.memory_space<semaphore_mem>>) src(%dma_wait3A_308 : memref<256x32xf32, #tpu.memory_space<vmem>>) dst(%dma_wait3A_304 : memref<256x32xf32, #tpu.memory_space<hbm>>)
    %dma_start3A_309 = arith.constant 1 : i32
    %dma_start3A_310 = arith.constant 1 : i32
    %dma_start3A_311 = arith.constant 0 : i32
    %dma_start3A_312 = arith.constant 0 : i32
    %dma_start3A_313 = tpu.memref_slice %arg6[%dma_start3A_309, %dma_start3A_311, %dma_start3A_312] : memref<8x256x32xf32, #tpu.memory_space<vmem>> -> memref<1x256x32xf32, #tpu.memory_space<vmem>>
    %dma_start3A_314 = tpu.memref_squeeze %dma_start3A_313 : memref<1x256x32xf32, #tpu.memory_space<vmem>> -> memref<256x32xf32, #tpu.memory_space<vmem>>
    %dma_start3A_315 = arith.constant 2304 : i32
    %dma_start3A_316 = tpu.memref_slice %arg5[%dma_start3A_315] : memref<4096xi32, #tpu.memory_space<vmem>> -> memref<256xi32, #tpu.memory_space<vmem>>
    %dma_start3A_317 = arith.constant 0 : i32
    %dma_start3A_318 = arith.constant 0 : i32
    %dma_start3A_319 = tpu.memref_slice %arg2[%dma_start3A_317, %dma_start3A_318] : memref<2600000x32xf32, #tpu.memory_space<hbm>> -> memref<2600000x32xf32, #tpu.memory_space<hbm>>
    %dma_start3A_320 = tpu.memref_slice %arg7[%dma_start3A_310] : memref<8x!tpu.dma_semaphore, #tpu.memory_space<semaphore_mem>> -> memref<1x!tpu.dma_semaphore, #tpu.memory_space<semaphore_mem>>
    %dma_start3A_321 = tpu.memref_squeeze %dma_start3A_320 : memref<1x!tpu.dma_semaphore, #tpu.memory_space<semaphore_mem>> -> memref<!tpu.dma_semaphore, #tpu.memory_space<semaphore_mem>>
    tpu.enqueue_indirect_dma source(%dma_start3A_319 : memref<2600000x32xf32, #tpu.memory_space<hbm>>) target(%dma_start3A_314 : memref<256x32xf32, #tpu.memory_space<vmem>>) offsets(%dma_start3A_316 : memref<256xi32, #tpu.memory_space<vmem>>) semaphore(%dma_start3A_321 : memref<!tpu.dma_semaphore, #tpu.memory_space<semaphore_mem>>)
    %dma_wait3A_322 = arith.constant 5 : i32
    %dma_wait3A_323 = arith.constant 5 : i32
    %dma_wait3A_324 = arith.constant 0 : i32
    %dma_wait3A_325 = arith.constant 0 : i32
    %dma_wait3A_326 = tpu.memref_slice %arg6[%dma_wait3A_322, %dma_wait3A_324, %dma_wait3A_325] : memref<8x256x32xf32, #tpu.memory_space<vmem>> -> memref<1x256x32xf32, #tpu.memory_space<vmem>>
    %dma_wait3A_327 = tpu.memref_squeeze %dma_wait3A_326 : memref<1x256x32xf32, #tpu.memory_space<vmem>> -> memref<256x32xf32, #tpu.memory_space<vmem>>
    %dma_wait3A_328 = arith.constant 1280 : i32
    %dma_wait3A_329 = tpu.memref_slice %arg5[%dma_wait3A_328] : memref<4096xi32, #tpu.memory_space<vmem>> -> memref<256xi32, #tpu.memory_space<vmem>>
    %dma_wait3A_330 = arith.constant 0 : i32
    %dma_wait3A_331 = arith.constant 0 : i32
    %dma_wait3A_332 = tpu.memref_slice %arg2[%dma_wait3A_330, %dma_wait3A_331] : memref<2600000x32xf32, #tpu.memory_space<hbm>> -> memref<2600000x32xf32, #tpu.memory_space<hbm>>
    %dma_wait3A_333 = tpu.memref_slice %arg7[%dma_wait3A_323] : memref<8x!tpu.dma_semaphore, #tpu.memory_space<semaphore_mem>> -> memref<1x!tpu.dma_semaphore, #tpu.memory_space<semaphore_mem>>
    %dma_wait3A_334 = tpu.memref_squeeze %dma_wait3A_333 : memref<1x!tpu.dma_semaphore, #tpu.memory_space<semaphore_mem>> -> memref<!tpu.dma_semaphore, #tpu.memory_space<semaphore_mem>>
    tpu.wait_indirect_dma semaphore(%dma_wait3A_334 : memref<!tpu.dma_semaphore, #tpu.memory_space<semaphore_mem>>) src(%dma_wait3A_332 : memref<2600000x32xf32, #tpu.memory_space<hbm>>) dst(%dma_wait3A_327 : memref<256x32xf32, #tpu.memory_space<vmem>>)
    %add3A_335 = arith.constant 1280 : i32
    %add3A_336 = arith.addi %mul3A_2, %add3A_335 : i32
    %dma_start3A_337 = arith.constant 5 : i32
    %dma_start3A_338 = arith.constant 5 : i32
    %dma_start3A_339 = arith.constant 0 : i32
    %dma_start3A_340 = arith.constant 0 : i32
    %dma_start3A_341 = tpu.memref_slice %arg6[%dma_start3A_337, %dma_start3A_339, %dma_start3A_340] : memref<8x256x32xf32, #tpu.memory_space<vmem>> -> memref<1x256x32xf32, #tpu.memory_space<vmem>>
    %dma_start3A_342 = tpu.memref_squeeze %dma_start3A_341 : memref<1x256x32xf32, #tpu.memory_space<vmem>> -> memref<256x32xf32, #tpu.memory_space<vmem>>
    %dma_start3A_343 = arith.constant 0 : i32
    %dma_start3A_344 = tpu.memref_slice %arg4[%add3A_336, %dma_start3A_343] : memref<131072x32xf32, #tpu.memory_space<hbm>> -> memref<256x32xf32, #tpu.memory_space<hbm>>
    %dma_start3A_345 = tpu.memref_slice %arg8[%dma_start3A_338] : memref<8x!tpu.dma_semaphore, #tpu.memory_space<semaphore_mem>> -> memref<1x!tpu.dma_semaphore, #tpu.memory_space<semaphore_mem>>
    %dma_start3A_346 = tpu.memref_squeeze %dma_start3A_345 : memref<1x!tpu.dma_semaphore, #tpu.memory_space<semaphore_mem>> -> memref<!tpu.dma_semaphore, #tpu.memory_space<semaphore_mem>>
    %dma_start3A_347 = arith.constant 0 : i32
    %dma_start3A_348 = tpu.memref_slice %arg4[%add3A_336, %dma_start3A_347] : memref<131072x32xf32, #tpu.memory_space<hbm>> -> memref<256x32xf32, #tpu.memory_space<hbm>>
    %dma_start3A_349 = arith.constant 0 : i32
    %dma_start3A_350 = arith.constant 0 : i32
    %dma_start3A_351 = tpu.memref_slice %arg6[%dma_start3A_337, %dma_start3A_349, %dma_start3A_350] : memref<8x256x32xf32, #tpu.memory_space<vmem>> -> memref<1x256x32xf32, #tpu.memory_space<vmem>>
    %dma_start3A_352 = tpu.memref_squeeze %dma_start3A_351 : memref<1x256x32xf32, #tpu.memory_space<vmem>> -> memref<256x32xf32, #tpu.memory_space<vmem>>
    tpu.enqueue_dma source(%dma_start3A_352 : memref<256x32xf32, #tpu.memory_space<vmem>>) target(%dma_start3A_348 : memref<256x32xf32, #tpu.memory_space<hbm>>) target_semaphore(%dma_start3A_346 : memref<!tpu.dma_semaphore, #tpu.memory_space<semaphore_mem>>)
    %add3A_353 = arith.constant 512 : i32
    %add3A_354 = arith.addi %mul3A_2, %add3A_353 : i32
    %dma_wait3A_355 = arith.constant 2 : i32
    %dma_wait3A_356 = arith.constant 2 : i32
    %dma_wait3A_357 = arith.constant 0 : i32
    %dma_wait3A_358 = arith.constant 0 : i32
    %dma_wait3A_359 = tpu.memref_slice %arg6[%dma_wait3A_355, %dma_wait3A_357, %dma_wait3A_358] : memref<8x256x32xf32, #tpu.memory_space<vmem>> -> memref<1x256x32xf32, #tpu.memory_space<vmem>>
    %dma_wait3A_360 = tpu.memref_squeeze %dma_wait3A_359 : memref<1x256x32xf32, #tpu.memory_space<vmem>> -> memref<256x32xf32, #tpu.memory_space<vmem>>
    %dma_wait3A_361 = arith.constant 0 : i32
    %dma_wait3A_362 = tpu.memref_slice %arg4[%add3A_354, %dma_wait3A_361] : memref<131072x32xf32, #tpu.memory_space<hbm>> -> memref<256x32xf32, #tpu.memory_space<hbm>>
    %dma_wait3A_363 = tpu.memref_slice %arg8[%dma_wait3A_356] : memref<8x!tpu.dma_semaphore, #tpu.memory_space<semaphore_mem>> -> memref<1x!tpu.dma_semaphore, #tpu.memory_space<semaphore_mem>>
    %dma_wait3A_364 = tpu.memref_squeeze %dma_wait3A_363 : memref<1x!tpu.dma_semaphore, #tpu.memory_space<semaphore_mem>> -> memref<!tpu.dma_semaphore, #tpu.memory_space<semaphore_mem>>
    %dma_wait3A_365 = arith.constant 0 : i32
    %dma_wait3A_366 = tpu.memref_slice %arg4[%add3A_354, %dma_wait3A_365] : memref<131072x32xf32, #tpu.memory_space<hbm>> -> memref<256x32xf32, #tpu.memory_space<hbm>>
    %dma_wait3A_367 = arith.constant 0 : i32
    %dma_wait3A_368 = arith.constant 0 : i32
    %dma_wait3A_369 = tpu.memref_slice %arg6[%dma_wait3A_355, %dma_wait3A_367, %dma_wait3A_368] : memref<8x256x32xf32, #tpu.memory_space<vmem>> -> memref<1x256x32xf32, #tpu.memory_space<vmem>>
    %dma_wait3A_370 = tpu.memref_squeeze %dma_wait3A_369 : memref<1x256x32xf32, #tpu.memory_space<vmem>> -> memref<256x32xf32, #tpu.memory_space<vmem>>
    tpu.wait_dma2 semaphore(%dma_wait3A_364 : memref<!tpu.dma_semaphore, #tpu.memory_space<semaphore_mem>>) src(%dma_wait3A_370 : memref<256x32xf32, #tpu.memory_space<vmem>>) dst(%dma_wait3A_366 : memref<256x32xf32, #tpu.memory_space<hbm>>)
    %dma_start3A_371 = arith.constant 2 : i32
    %dma_start3A_372 = arith.constant 2 : i32
    %dma_start3A_373 = arith.constant 0 : i32
    %dma_start3A_374 = arith.constant 0 : i32
    %dma_start3A_375 = tpu.memref_slice %arg6[%dma_start3A_371, %dma_start3A_373, %dma_start3A_374] : memref<8x256x32xf32, #tpu.memory_space<vmem>> -> memref<1x256x32xf32, #tpu.memory_space<vmem>>
    %dma_start3A_376 = tpu.memref_squeeze %dma_start3A_375 : memref<1x256x32xf32, #tpu.memory_space<vmem>> -> memref<256x32xf32, #tpu.memory_space<vmem>>
    %dma_start3A_377 = arith.constant 2560 : i32
    %dma_start3A_378 = tpu.memref_slice %arg5[%dma_start3A_377] : memref<4096xi32, #tpu.memory_space<vmem>> -> memref<256xi32, #tpu.memory_space<vmem>>
    %dma_start3A_379 = arith.constant 0 : i32
    %dma_start3A_380 = arith.constant 0 : i32
    %dma_start3A_381 = tpu.memref_slice %arg2[%dma_start3A_379, %dma_start3A_380] : memref<2600000x32xf32, #tpu.memory_space<hbm>> -> memref<2600000x32xf32, #tpu.memory_space<hbm>>
    %dma_start3A_382 = tpu.memref_slice %arg7[%dma_start3A_372] : memref<8x!tpu.dma_semaphore, #tpu.memory_space<semaphore_mem>> -> memref<1x!tpu.dma_semaphore, #tpu.memory_space<semaphore_mem>>
    %dma_start3A_383 = tpu.memref_squeeze %dma_start3A_382 : memref<1x!tpu.dma_semaphore, #tpu.memory_space<semaphore_mem>> -> memref<!tpu.dma_semaphore, #tpu.memory_space<semaphore_mem>>
    tpu.enqueue_indirect_dma source(%dma_start3A_381 : memref<2600000x32xf32, #tpu.memory_space<hbm>>) target(%dma_start3A_376 : memref<256x32xf32, #tpu.memory_space<vmem>>) offsets(%dma_start3A_378 : memref<256xi32, #tpu.memory_space<vmem>>) semaphore(%dma_start3A_383 : memref<!tpu.dma_semaphore, #tpu.memory_space<semaphore_mem>>)
    %dma_wait3A_384 = arith.constant 6 : i32
    %dma_wait3A_385 = arith.constant 6 : i32
    %dma_wait3A_386 = arith.constant 0 : i32
    %dma_wait3A_387 = arith.constant 0 : i32
    %dma_wait3A_388 = tpu.memref_slice %arg6[%dma_wait3A_384, %dma_wait3A_386, %dma_wait3A_387] : memref<8x256x32xf32, #tpu.memory_space<vmem>> -> memref<1x256x32xf32, #tpu.memory_space<vmem>>
    %dma_wait3A_389 = tpu.memref_squeeze %dma_wait3A_388 : memref<1x256x32xf32, #tpu.memory_space<vmem>> -> memref<256x32xf32, #tpu.memory_space<vmem>>
    %dma_wait3A_390 = arith.constant 1536 : i32
    %dma_wait3A_391 = tpu.memref_slice %arg5[%dma_wait3A_390] : memref<4096xi32, #tpu.memory_space<vmem>> -> memref<256xi32, #tpu.memory_space<vmem>>
    %dma_wait3A_392 = arith.constant 0 : i32
    %dma_wait3A_393 = arith.constant 0 : i32
    %dma_wait3A_394 = tpu.memref_slice %arg2[%dma_wait3A_392, %dma_wait3A_393] : memref<2600000x32xf32, #tpu.memory_space<hbm>> -> memref<2600000x32xf32, #tpu.memory_space<hbm>>
    %dma_wait3A_395 = tpu.memref_slice %arg7[%dma_wait3A_385] : memref<8x!tpu.dma_semaphore, #tpu.memory_space<semaphore_mem>> -> memref<1x!tpu.dma_semaphore, #tpu.memory_space<semaphore_mem>>
    %dma_wait3A_396 = tpu.memref_squeeze %dma_wait3A_395 : memref<1x!tpu.dma_semaphore, #tpu.memory_space<semaphore_mem>> -> memref<!tpu.dma_semaphore, #tpu.memory_space<semaphore_mem>>
    tpu.wait_indirect_dma semaphore(%dma_wait3A_396 : memref<!tpu.dma_semaphore, #tpu.memory_space<semaphore_mem>>) src(%dma_wait3A_394 : memref<2600000x32xf32, #tpu.memory_space<hbm>>) dst(%dma_wait3A_389 : memref<256x32xf32, #tpu.memory_space<vmem>>)
    %add3A_397 = arith.constant 1536 : i32
    %add3A_398 = arith.addi %mul3A_2, %add3A_397 : i32
    %dma_start3A_399 = arith.constant 6 : i32
    %dma_start3A_400 = arith.constant 6 : i32
    %dma_start3A_401 = arith.constant 0 : i32
    %dma_start3A_402 = arith.constant 0 : i32
    %dma_start3A_403 = tpu.memref_slice %arg6[%dma_start3A_399, %dma_start3A_401, %dma_start3A_402] : memref<8x256x32xf32, #tpu.memory_space<vmem>> -> memref<1x256x32xf32, #tpu.memory_space<vmem>>
    %dma_start3A_404 = tpu.memref_squeeze %dma_start3A_403 : memref<1x256x32xf32, #tpu.memory_space<vmem>> -> memref<256x32xf32, #tpu.memory_space<vmem>>
    %dma_start3A_405 = arith.constant 0 : i32
    %dma_start3A_406 = tpu.memref_slice %arg4[%add3A_398, %dma_start3A_405] : memref<131072x32xf32, #tpu.memory_space<hbm>> -> memref<256x32xf32, #tpu.memory_space<hbm>>
    %dma_start3A_407 = tpu.memref_slice %arg8[%dma_start3A_400] : memref<8x!tpu.dma_semaphore, #tpu.memory_space<semaphore_mem>> -> memref<1x!tpu.dma_semaphore, #tpu.memory_space<semaphore_mem>>
    %dma_start3A_408 = tpu.memref_squeeze %dma_start3A_407 : memref<1x!tpu.dma_semaphore, #tpu.memory_space<semaphore_mem>> -> memref<!tpu.dma_semaphore, #tpu.memory_space<semaphore_mem>>
    %dma_start3A_409 = arith.constant 0 : i32
    %dma_start3A_410 = tpu.memref_slice %arg4[%add3A_398, %dma_start3A_409] : memref<131072x32xf32, #tpu.memory_space<hbm>> -> memref<256x32xf32, #tpu.memory_space<hbm>>
    %dma_start3A_411 = arith.constant 0 : i32
    %dma_start3A_412 = arith.constant 0 : i32
    %dma_start3A_413 = tpu.memref_slice %arg6[%dma_start3A_399, %dma_start3A_411, %dma_start3A_412] : memref<8x256x32xf32, #tpu.memory_space<vmem>> -> memref<1x256x32xf32, #tpu.memory_space<vmem>>
    %dma_start3A_414 = tpu.memref_squeeze %dma_start3A_413 : memref<1x256x32xf32, #tpu.memory_space<vmem>> -> memref<256x32xf32, #tpu.memory_space<vmem>>
    tpu.enqueue_dma source(%dma_start3A_414 : memref<256x32xf32, #tpu.memory_space<vmem>>) target(%dma_start3A_410 : memref<256x32xf32, #tpu.memory_space<hbm>>) target_semaphore(%dma_start3A_408 : memref<!tpu.dma_semaphore, #tpu.memory_space<semaphore_mem>>)
    %add3A_415 = arith.constant 768 : i32
    %add3A_416 = arith.addi %mul3A_2, %add3A_415 : i32
    %dma_wait3A_417 = arith.constant 3 : i32
    %dma_wait3A_418 = arith.constant 3 : i32
    %dma_wait3A_419 = arith.constant 0 : i32
    %dma_wait3A_420 = arith.constant 0 : i32
    %dma_wait3A_421 = tpu.memref_slice %arg6[%dma_wait3A_417, %dma_wait3A_419, %dma_wait3A_420] : memref<8x256x32xf32, #tpu.memory_space<vmem>> -> memref<1x256x32xf32, #tpu.memory_space<vmem>>
    %dma_wait3A_422 = tpu.memref_squeeze %dma_wait3A_421 : memref<1x256x32xf32, #tpu.memory_space<vmem>> -> memref<256x32xf32, #tpu.memory_space<vmem>>
    %dma_wait3A_423 = arith.constant 0 : i32
    %dma_wait3A_424 = tpu.memref_slice %arg4[%add3A_416, %dma_wait3A_423] : memref<131072x32xf32, #tpu.memory_space<hbm>> -> memref<256x32xf32, #tpu.memory_space<hbm>>
    %dma_wait3A_425 = tpu.memref_slice %arg8[%dma_wait3A_418] : memref<8x!tpu.dma_semaphore, #tpu.memory_space<semaphore_mem>> -> memref<1x!tpu.dma_semaphore, #tpu.memory_space<semaphore_mem>>
    %dma_wait3A_426 = tpu.memref_squeeze %dma_wait3A_425 : memref<1x!tpu.dma_semaphore, #tpu.memory_space<semaphore_mem>> -> memref<!tpu.dma_semaphore, #tpu.memory_space<semaphore_mem>>
    %dma_wait3A_427 = arith.constant 0 : i32
    %dma_wait3A_428 = tpu.memref_slice %arg4[%add3A_416, %dma_wait3A_427] : memref<131072x32xf32, #tpu.memory_space<hbm>> -> memref<256x32xf32, #tpu.memory_space<hbm>>
    %dma_wait3A_429 = arith.constant 0 : i32
    %dma_wait3A_430 = arith.constant 0 : i32
    %dma_wait3A_431 = tpu.memref_slice %arg6[%dma_wait3A_417, %dma_wait3A_429, %dma_wait3A_430] : memref<8x256x32xf32, #tpu.memory_space<vmem>> -> memref<1x256x32xf32, #tpu.memory_space<vmem>>
    %dma_wait3A_432 = tpu.memref_squeeze %dma_wait3A_431 : memref<1x256x32xf32, #tpu.memory_space<vmem>> -> memref<256x32xf32, #tpu.memory_space<vmem>>
    tpu.wait_dma2 semaphore(%dma_wait3A_426 : memref<!tpu.dma_semaphore, #tpu.memory_space<semaphore_mem>>) src(%dma_wait3A_432 : memref<256x32xf32, #tpu.memory_space<vmem>>) dst(%dma_wait3A_428 : memref<256x32xf32, #tpu.memory_space<hbm>>)
    %dma_start3A_433 = arith.constant 3 : i32
    %dma_start3A_434 = arith.constant 3 : i32
    %dma_start3A_435 = arith.constant 0 : i32
    %dma_start3A_436 = arith.constant 0 : i32
    %dma_start3A_437 = tpu.memref_slice %arg6[%dma_start3A_433, %dma_start3A_435, %dma_start3A_436] : memref<8x256x32xf32, #tpu.memory_space<vmem>> -> memref<1x256x32xf32, #tpu.memory_space<vmem>>
    %dma_start3A_438 = tpu.memref_squeeze %dma_start3A_437 : memref<1x256x32xf32, #tpu.memory_space<vmem>> -> memref<256x32xf32, #tpu.memory_space<vmem>>
    %dma_start3A_439 = arith.constant 2816 : i32
    %dma_start3A_440 = tpu.memref_slice %arg5[%dma_start3A_439] : memref<4096xi32, #tpu.memory_space<vmem>> -> memref<256xi32, #tpu.memory_space<vmem>>
    %dma_start3A_441 = arith.constant 0 : i32
    %dma_start3A_442 = arith.constant 0 : i32
    %dma_start3A_443 = tpu.memref_slice %arg2[%dma_start3A_441, %dma_start3A_442] : memref<2600000x32xf32, #tpu.memory_space<hbm>> -> memref<2600000x32xf32, #tpu.memory_space<hbm>>
    %dma_start3A_444 = tpu.memref_slice %arg7[%dma_start3A_434] : memref<8x!tpu.dma_semaphore, #tpu.memory_space<semaphore_mem>> -> memref<1x!tpu.dma_semaphore, #tpu.memory_space<semaphore_mem>>
    %dma_start3A_445 = tpu.memref_squeeze %dma_start3A_444 : memref<1x!tpu.dma_semaphore, #tpu.memory_space<semaphore_mem>> -> memref<!tpu.dma_semaphore, #tpu.memory_space<semaphore_mem>>
    tpu.enqueue_indirect_dma source(%dma_start3A_443 : memref<2600000x32xf32, #tpu.memory_space<hbm>>) target(%dma_start3A_438 : memref<256x32xf32, #tpu.memory_space<vmem>>) offsets(%dma_start3A_440 : memref<256xi32, #tpu.memory_space<vmem>>) semaphore(%dma_start3A_445 : memref<!tpu.dma_semaphore, #tpu.memory_space<semaphore_mem>>)
    %dma_wait3A_446 = arith.constant 7 : i32
    %dma_wait3A_447 = arith.constant 7 : i32
    %dma_wait3A_448 = arith.constant 0 : i32
    %dma_wait3A_449 = arith.constant 0 : i32
    %dma_wait3A_450 = tpu.memref_slice %arg6[%dma_wait3A_446, %dma_wait3A_448, %dma_wait3A_449] : memref<8x256x32xf32, #tpu.memory_space<vmem>> -> memref<1x256x32xf32, #tpu.memory_space<vmem>>
    %dma_wait3A_451 = tpu.memref_squeeze %dma_wait3A_450 : memref<1x256x32xf32, #tpu.memory_space<vmem>> -> memref<256x32xf32, #tpu.memory_space<vmem>>
    %dma_wait3A_452 = arith.constant 1792 : i32
    %dma_wait3A_453 = tpu.memref_slice %arg5[%dma_wait3A_452] : memref<4096xi32, #tpu.memory_space<vmem>> -> memref<256xi32, #tpu.memory_space<vmem>>
    %dma_wait3A_454 = arith.constant 0 : i32
    %dma_wait3A_455 = arith.constant 0 : i32
    %dma_wait3A_456 = tpu.memref_slice %arg2[%dma_wait3A_454, %dma_wait3A_455] : memref<2600000x32xf32, #tpu.memory_space<hbm>> -> memref<2600000x32xf32, #tpu.memory_space<hbm>>
    %dma_wait3A_457 = tpu.memref_slice %arg7[%dma_wait3A_447] : memref<8x!tpu.dma_semaphore, #tpu.memory_space<semaphore_mem>> -> memref<1x!tpu.dma_semaphore, #tpu.memory_space<semaphore_mem>>
    %dma_wait3A_458 = tpu.memref_squeeze %dma_wait3A_457 : memref<1x!tpu.dma_semaphore, #tpu.memory_space<semaphore_mem>> -> memref<!tpu.dma_semaphore, #tpu.memory_space<semaphore_mem>>
    tpu.wait_indirect_dma semaphore(%dma_wait3A_458 : memref<!tpu.dma_semaphore, #tpu.memory_space<semaphore_mem>>) src(%dma_wait3A_456 : memref<2600000x32xf32, #tpu.memory_space<hbm>>) dst(%dma_wait3A_451 : memref<256x32xf32, #tpu.memory_space<vmem>>)
    %add3A_459 = arith.constant 1792 : i32
    %add3A_460 = arith.addi %mul3A_2, %add3A_459 : i32
    %dma_start3A_461 = arith.constant 7 : i32
    %dma_start3A_462 = arith.constant 7 : i32
    %dma_start3A_463 = arith.constant 0 : i32
    %dma_start3A_464 = arith.constant 0 : i32
    %dma_start3A_465 = tpu.memref_slice %arg6[%dma_start3A_461, %dma_start3A_463, %dma_start3A_464] : memref<8x256x32xf32, #tpu.memory_space<vmem>> -> memref<1x256x32xf32, #tpu.memory_space<vmem>>
    %dma_start3A_466 = tpu.memref_squeeze %dma_start3A_465 : memref<1x256x32xf32, #tpu.memory_space<vmem>> -> memref<256x32xf32, #tpu.memory_space<vmem>>
    %dma_start3A_467 = arith.constant 0 : i32
    %dma_start3A_468 = tpu.memref_slice %arg4[%add3A_460, %dma_start3A_467] : memref<131072x32xf32, #tpu.memory_space<hbm>> -> memref<256x32xf32, #tpu.memory_space<hbm>>
    %dma_start3A_469 = tpu.memref_slice %arg8[%dma_start3A_462] : memref<8x!tpu.dma_semaphore, #tpu.memory_space<semaphore_mem>> -> memref<1x!tpu.dma_semaphore, #tpu.memory_space<semaphore_mem>>
    %dma_start3A_470 = tpu.memref_squeeze %dma_start3A_469 : memref<1x!tpu.dma_semaphore, #tpu.memory_space<semaphore_mem>> -> memref<!tpu.dma_semaphore, #tpu.memory_space<semaphore_mem>>
    %dma_start3A_471 = arith.constant 0 : i32
    %dma_start3A_472 = tpu.memref_slice %arg4[%add3A_460, %dma_start3A_471] : memref<131072x32xf32, #tpu.memory_space<hbm>> -> memref<256x32xf32, #tpu.memory_space<hbm>>
    %dma_start3A_473 = arith.constant 0 : i32
    %dma_start3A_474 = arith.constant 0 : i32
    %dma_start3A_475 = tpu.memref_slice %arg6[%dma_start3A_461, %dma_start3A_473, %dma_start3A_474] : memref<8x256x32xf32, #tpu.memory_space<vmem>> -> memref<1x256x32xf32, #tpu.memory_space<vmem>>
    %dma_start3A_476 = tpu.memref_squeeze %dma_start3A_475 : memref<1x256x32xf32, #tpu.memory_space<vmem>> -> memref<256x32xf32, #tpu.memory_space<vmem>>
    tpu.enqueue_dma source(%dma_start3A_476 : memref<256x32xf32, #tpu.memory_space<vmem>>) target(%dma_start3A_472 : memref<256x32xf32, #tpu.memory_space<hbm>>) target_semaphore(%dma_start3A_470 : memref<!tpu.dma_semaphore, #tpu.memory_space<semaphore_mem>>)
    %add3A_477 = arith.constant 1024 : i32
    %add3A_478 = arith.addi %mul3A_2, %add3A_477 : i32
    %dma_wait3A_479 = arith.constant 4 : i32
    %dma_wait3A_480 = arith.constant 4 : i32
    %dma_wait3A_481 = arith.constant 0 : i32
    %dma_wait3A_482 = arith.constant 0 : i32
    %dma_wait3A_483 = tpu.memref_slice %arg6[%dma_wait3A_479, %dma_wait3A_481, %dma_wait3A_482] : memref<8x256x32xf32, #tpu.memory_space<vmem>> -> memref<1x256x32xf32, #tpu.memory_space<vmem>>
    %dma_wait3A_484 = tpu.memref_squeeze %dma_wait3A_483 : memref<1x256x32xf32, #tpu.memory_space<vmem>> -> memref<256x32xf32, #tpu.memory_space<vmem>>
    %dma_wait3A_485 = arith.constant 0 : i32
    %dma_wait3A_486 = tpu.memref_slice %arg4[%add3A_478, %dma_wait3A_485] : memref<131072x32xf32, #tpu.memory_space<hbm>> -> memref<256x32xf32, #tpu.memory_space<hbm>>
    %dma_wait3A_487 = tpu.memref_slice %arg8[%dma_wait3A_480] : memref<8x!tpu.dma_semaphore, #tpu.memory_space<semaphore_mem>> -> memref<1x!tpu.dma_semaphore, #tpu.memory_space<semaphore_mem>>
    %dma_wait3A_488 = tpu.memref_squeeze %dma_wait3A_487 : memref<1x!tpu.dma_semaphore, #tpu.memory_space<semaphore_mem>> -> memref<!tpu.dma_semaphore, #tpu.memory_space<semaphore_mem>>
    %dma_wait3A_489 = arith.constant 0 : i32
    %dma_wait3A_490 = tpu.memref_slice %arg4[%add3A_478, %dma_wait3A_489] : memref<131072x32xf32, #tpu.memory_space<hbm>> -> memref<256x32xf32, #tpu.memory_space<hbm>>
    %dma_wait3A_491 = arith.constant 0 : i32
    %dma_wait3A_492 = arith.constant 0 : i32
    %dma_wait3A_493 = tpu.memref_slice %arg6[%dma_wait3A_479, %dma_wait3A_491, %dma_wait3A_492] : memref<8x256x32xf32, #tpu.memory_space<vmem>> -> memref<1x256x32xf32, #tpu.memory_space<vmem>>
    %dma_wait3A_494 = tpu.memref_squeeze %dma_wait3A_493 : memref<1x256x32xf32, #tpu.memory_space<vmem>> -> memref<256x32xf32, #tpu.memory_space<vmem>>
    tpu.wait_dma2 semaphore(%dma_wait3A_488 : memref<!tpu.dma_semaphore, #tpu.memory_space<semaphore_mem>>) src(%dma_wait3A_494 : memref<256x32xf32, #tpu.memory_space<vmem>>) dst(%dma_wait3A_490 : memref<256x32xf32, #tpu.memory_space<hbm>>)
    %dma_start3A_495 = arith.constant 4 : i32
    %dma_start3A_496 = arith.constant 4 : i32
    %dma_start3A_497 = arith.constant 0 : i32
    %dma_start3A_498 = arith.constant 0 : i32
    %dma_start3A_499 = tpu.memref_slice %arg6[%dma_start3A_495, %dma_start3A_497, %dma_start3A_498] : memref<8x256x32xf32, #tpu.memory_space<vmem>> -> memref<1x256x32xf32, #tpu.memory_space<vmem>>
    %dma_start3A_500 = tpu.memref_squeeze %dma_start3A_499 : memref<1x256x32xf32, #tpu.memory_space<vmem>> -> memref<256x32xf32, #tpu.memory_space<vmem>>
    %dma_start3A_501 = arith.constant 3072 : i32
    %dma_start3A_502 = tpu.memref_slice %arg5[%dma_start3A_501] : memref<4096xi32, #tpu.memory_space<vmem>> -> memref<256xi32, #tpu.memory_space<vmem>>
    %dma_start3A_503 = arith.constant 0 : i32
    %dma_start3A_504 = arith.constant 0 : i32
    %dma_start3A_505 = tpu.memref_slice %arg2[%dma_start3A_503, %dma_start3A_504] : memref<2600000x32xf32, #tpu.memory_space<hbm>> -> memref<2600000x32xf32, #tpu.memory_space<hbm>>
    %dma_start3A_506 = tpu.memref_slice %arg7[%dma_start3A_496] : memref<8x!tpu.dma_semaphore, #tpu.memory_space<semaphore_mem>> -> memref<1x!tpu.dma_semaphore, #tpu.memory_space<semaphore_mem>>
    %dma_start3A_507 = tpu.memref_squeeze %dma_start3A_506 : memref<1x!tpu.dma_semaphore, #tpu.memory_space<semaphore_mem>> -> memref<!tpu.dma_semaphore, #tpu.memory_space<semaphore_mem>>
    tpu.enqueue_indirect_dma source(%dma_start3A_505 : memref<2600000x32xf32, #tpu.memory_space<hbm>>) target(%dma_start3A_500 : memref<256x32xf32, #tpu.memory_space<vmem>>) offsets(%dma_start3A_502 : memref<256xi32, #tpu.memory_space<vmem>>) semaphore(%dma_start3A_507 : memref<!tpu.dma_semaphore, #tpu.memory_space<semaphore_mem>>)
    %dma_wait3A_508 = arith.constant 0 : i32
    %dma_wait3A_509 = arith.constant 0 : i32
    %dma_wait3A_510 = arith.constant 0 : i32
    %dma_wait3A_511 = arith.constant 0 : i32
    %dma_wait3A_512 = tpu.memref_slice %arg6[%dma_wait3A_508, %dma_wait3A_510, %dma_wait3A_511] : memref<8x256x32xf32, #tpu.memory_space<vmem>> -> memref<1x256x32xf32, #tpu.memory_space<vmem>>
    %dma_wait3A_513 = tpu.memref_squeeze %dma_wait3A_512 : memref<1x256x32xf32, #tpu.memory_space<vmem>> -> memref<256x32xf32, #tpu.memory_space<vmem>>
    %dma_wait3A_514 = arith.constant 2048 : i32
    %dma_wait3A_515 = tpu.memref_slice %arg5[%dma_wait3A_514] : memref<4096xi32, #tpu.memory_space<vmem>> -> memref<256xi32, #tpu.memory_space<vmem>>
    %dma_wait3A_516 = arith.constant 0 : i32
    %dma_wait3A_517 = arith.constant 0 : i32
    %dma_wait3A_518 = tpu.memref_slice %arg2[%dma_wait3A_516, %dma_wait3A_517] : memref<2600000x32xf32, #tpu.memory_space<hbm>> -> memref<2600000x32xf32, #tpu.memory_space<hbm>>
    %dma_wait3A_519 = tpu.memref_slice %arg7[%dma_wait3A_509] : memref<8x!tpu.dma_semaphore, #tpu.memory_space<semaphore_mem>> -> memref<1x!tpu.dma_semaphore, #tpu.memory_space<semaphore_mem>>
    %dma_wait3A_520 = tpu.memref_squeeze %dma_wait3A_519 : memref<1x!tpu.dma_semaphore, #tpu.memory_space<semaphore_mem>> -> memref<!tpu.dma_semaphore, #tpu.memory_space<semaphore_mem>>
    tpu.wait_indirect_dma semaphore(%dma_wait3A_520 : memref<!tpu.dma_semaphore, #tpu.memory_space<semaphore_mem>>) src(%dma_wait3A_518 : memref<2600000x32xf32, #tpu.memory_space<hbm>>) dst(%dma_wait3A_513 : memref<256x32xf32, #tpu.memory_space<vmem>>)
    %add3A_521 = arith.constant 2048 : i32
    %add3A_522 = arith.addi %mul3A_2, %add3A_521 : i32
    %dma_start3A_523 = arith.constant 0 : i32
    %dma_start3A_524 = arith.constant 0 : i32
    %dma_start3A_525 = arith.constant 0 : i32
    %dma_start3A_526 = arith.constant 0 : i32
    %dma_start3A_527 = tpu.memref_slice %arg6[%dma_start3A_523, %dma_start3A_525, %dma_start3A_526] : memref<8x256x32xf32, #tpu.memory_space<vmem>> -> memref<1x256x32xf32, #tpu.memory_space<vmem>>
    %dma_start3A_528 = tpu.memref_squeeze %dma_start3A_527 : memref<1x256x32xf32, #tpu.memory_space<vmem>> -> memref<256x32xf32, #tpu.memory_space<vmem>>
    %dma_start3A_529 = arith.constant 0 : i32
    %dma_start3A_530 = tpu.memref_slice %arg4[%add3A_522, %dma_start3A_529] : memref<131072x32xf32, #tpu.memory_space<hbm>> -> memref<256x32xf32, #tpu.memory_space<hbm>>
    %dma_start3A_531 = tpu.memref_slice %arg8[%dma_start3A_524] : memref<8x!tpu.dma_semaphore, #tpu.memory_space<semaphore_mem>> -> memref<1x!tpu.dma_semaphore, #tpu.memory_space<semaphore_mem>>
    %dma_start3A_532 = tpu.memref_squeeze %dma_start3A_531 : memref<1x!tpu.dma_semaphore, #tpu.memory_space<semaphore_mem>> -> memref<!tpu.dma_semaphore, #tpu.memory_space<semaphore_mem>>
    %dma_start3A_533 = arith.constant 0 : i32
    %dma_start3A_534 = tpu.memref_slice %arg4[%add3A_522, %dma_start3A_533] : memref<131072x32xf32, #tpu.memory_space<hbm>> -> memref<256x32xf32, #tpu.memory_space<hbm>>
    %dma_start3A_535 = arith.constant 0 : i32
    %dma_start3A_536 = arith.constant 0 : i32
    %dma_start3A_537 = tpu.memref_slice %arg6[%dma_start3A_523, %dma_start3A_535, %dma_start3A_536] : memref<8x256x32xf32, #tpu.memory_space<vmem>> -> memref<1x256x32xf32, #tpu.memory_space<vmem>>
    %dma_start3A_538 = tpu.memref_squeeze %dma_start3A_537 : memref<1x256x32xf32, #tpu.memory_space<vmem>> -> memref<256x32xf32, #tpu.memory_space<vmem>>
    tpu.enqueue_dma source(%dma_start3A_538 : memref<256x32xf32, #tpu.memory_space<vmem>>) target(%dma_start3A_534 : memref<256x32xf32, #tpu.memory_space<hbm>>) target_semaphore(%dma_start3A_532 : memref<!tpu.dma_semaphore, #tpu.memory_space<semaphore_mem>>)
    %add3A_539 = arith.constant 1280 : i32
    %add3A_540 = arith.addi %mul3A_2, %add3A_539 : i32
    %dma_wait3A_541 = arith.constant 5 : i32
    %dma_wait3A_542 = arith.constant 5 : i32
    %dma_wait3A_543 = arith.constant 0 : i32
    %dma_wait3A_544 = arith.constant 0 : i32
    %dma_wait3A_545 = tpu.memref_slice %arg6[%dma_wait3A_541, %dma_wait3A_543, %dma_wait3A_544] : memref<8x256x32xf32, #tpu.memory_space<vmem>> -> memref<1x256x32xf32, #tpu.memory_space<vmem>>
    %dma_wait3A_546 = tpu.memref_squeeze %dma_wait3A_545 : memref<1x256x32xf32, #tpu.memory_space<vmem>> -> memref<256x32xf32, #tpu.memory_space<vmem>>
    %dma_wait3A_547 = arith.constant 0 : i32
    %dma_wait3A_548 = tpu.memref_slice %arg4[%add3A_540, %dma_wait3A_547] : memref<131072x32xf32, #tpu.memory_space<hbm>> -> memref<256x32xf32, #tpu.memory_space<hbm>>
    %dma_wait3A_549 = tpu.memref_slice %arg8[%dma_wait3A_542] : memref<8x!tpu.dma_semaphore, #tpu.memory_space<semaphore_mem>> -> memref<1x!tpu.dma_semaphore, #tpu.memory_space<semaphore_mem>>
    %dma_wait3A_550 = tpu.memref_squeeze %dma_wait3A_549 : memref<1x!tpu.dma_semaphore, #tpu.memory_space<semaphore_mem>> -> memref<!tpu.dma_semaphore, #tpu.memory_space<semaphore_mem>>
    %dma_wait3A_551 = arith.constant 0 : i32
    %dma_wait3A_552 = tpu.memref_slice %arg4[%add3A_540, %dma_wait3A_551] : memref<131072x32xf32, #tpu.memory_space<hbm>> -> memref<256x32xf32, #tpu.memory_space<hbm>>
    %dma_wait3A_553 = arith.constant 0 : i32
    %dma_wait3A_554 = arith.constant 0 : i32
    %dma_wait3A_555 = tpu.memref_slice %arg6[%dma_wait3A_541, %dma_wait3A_553, %dma_wait3A_554] : memref<8x256x32xf32, #tpu.memory_space<vmem>> -> memref<1x256x32xf32, #tpu.memory_space<vmem>>
    %dma_wait3A_556 = tpu.memref_squeeze %dma_wait3A_555 : memref<1x256x32xf32, #tpu.memory_space<vmem>> -> memref<256x32xf32, #tpu.memory_space<vmem>>
    tpu.wait_dma2 semaphore(%dma_wait3A_550 : memref<!tpu.dma_semaphore, #tpu.memory_space<semaphore_mem>>) src(%dma_wait3A_556 : memref<256x32xf32, #tpu.memory_space<vmem>>) dst(%dma_wait3A_552 : memref<256x32xf32, #tpu.memory_space<hbm>>)
    %dma_start3A_557 = arith.constant 5 : i32
    %dma_start3A_558 = arith.constant 5 : i32
    %dma_start3A_559 = arith.constant 0 : i32
    %dma_start3A_560 = arith.constant 0 : i32
    %dma_start3A_561 = tpu.memref_slice %arg6[%dma_start3A_557, %dma_start3A_559, %dma_start3A_560] : memref<8x256x32xf32, #tpu.memory_space<vmem>> -> memref<1x256x32xf32, #tpu.memory_space<vmem>>
    %dma_start3A_562 = tpu.memref_squeeze %dma_start3A_561 : memref<1x256x32xf32, #tpu.memory_space<vmem>> -> memref<256x32xf32, #tpu.memory_space<vmem>>
    %dma_start3A_563 = arith.constant 3328 : i32
    %dma_start3A_564 = tpu.memref_slice %arg5[%dma_start3A_563] : memref<4096xi32, #tpu.memory_space<vmem>> -> memref<256xi32, #tpu.memory_space<vmem>>
    %dma_start3A_565 = arith.constant 0 : i32
    %dma_start3A_566 = arith.constant 0 : i32
    %dma_start3A_567 = tpu.memref_slice %arg2[%dma_start3A_565, %dma_start3A_566] : memref<2600000x32xf32, #tpu.memory_space<hbm>> -> memref<2600000x32xf32, #tpu.memory_space<hbm>>
    %dma_start3A_568 = tpu.memref_slice %arg7[%dma_start3A_558] : memref<8x!tpu.dma_semaphore, #tpu.memory_space<semaphore_mem>> -> memref<1x!tpu.dma_semaphore, #tpu.memory_space<semaphore_mem>>
    %dma_start3A_569 = tpu.memref_squeeze %dma_start3A_568 : memref<1x!tpu.dma_semaphore, #tpu.memory_space<semaphore_mem>> -> memref<!tpu.dma_semaphore, #tpu.memory_space<semaphore_mem>>
    tpu.enqueue_indirect_dma source(%dma_start3A_567 : memref<2600000x32xf32, #tpu.memory_space<hbm>>) target(%dma_start3A_562 : memref<256x32xf32, #tpu.memory_space<vmem>>) offsets(%dma_start3A_564 : memref<256xi32, #tpu.memory_space<vmem>>) semaphore(%dma_start3A_569 : memref<!tpu.dma_semaphore, #tpu.memory_space<semaphore_mem>>)
    %dma_wait3A_570 = arith.constant 1 : i32
    %dma_wait3A_571 = arith.constant 1 : i32
    %dma_wait3A_572 = arith.constant 0 : i32
    %dma_wait3A_573 = arith.constant 0 : i32
    %dma_wait3A_574 = tpu.memref_slice %arg6[%dma_wait3A_570, %dma_wait3A_572, %dma_wait3A_573] : memref<8x256x32xf32, #tpu.memory_space<vmem>> -> memref<1x256x32xf32, #tpu.memory_space<vmem>>
    %dma_wait3A_575 = tpu.memref_squeeze %dma_wait3A_574 : memref<1x256x32xf32, #tpu.memory_space<vmem>> -> memref<256x32xf32, #tpu.memory_space<vmem>>
    %dma_wait3A_576 = arith.constant 2304 : i32
    %dma_wait3A_577 = tpu.memref_slice %arg5[%dma_wait3A_576] : memref<4096xi32, #tpu.memory_space<vmem>> -> memref<256xi32, #tpu.memory_space<vmem>>
    %dma_wait3A_578 = arith.constant 0 : i32
    %dma_wait3A_579 = arith.constant 0 : i32
    %dma_wait3A_580 = tpu.memref_slice %arg2[%dma_wait3A_578, %dma_wait3A_579] : memref<2600000x32xf32, #tpu.memory_space<hbm>> -> memref<2600000x32xf32, #tpu.memory_space<hbm>>
    %dma_wait3A_581 = tpu.memref_slice %arg7[%dma_wait3A_571] : memref<8x!tpu.dma_semaphore, #tpu.memory_space<semaphore_mem>> -> memref<1x!tpu.dma_semaphore, #tpu.memory_space<semaphore_mem>>
    %dma_wait3A_582 = tpu.memref_squeeze %dma_wait3A_581 : memref<1x!tpu.dma_semaphore, #tpu.memory_space<semaphore_mem>> -> memref<!tpu.dma_semaphore, #tpu.memory_space<semaphore_mem>>
    tpu.wait_indirect_dma semaphore(%dma_wait3A_582 : memref<!tpu.dma_semaphore, #tpu.memory_space<semaphore_mem>>) src(%dma_wait3A_580 : memref<2600000x32xf32, #tpu.memory_space<hbm>>) dst(%dma_wait3A_575 : memref<256x32xf32, #tpu.memory_space<vmem>>)
    %add3A_583 = arith.constant 2304 : i32
    %add3A_584 = arith.addi %mul3A_2, %add3A_583 : i32
    %dma_start3A_585 = arith.constant 1 : i32
    %dma_start3A_586 = arith.constant 1 : i32
    %dma_start3A_587 = arith.constant 0 : i32
    %dma_start3A_588 = arith.constant 0 : i32
    %dma_start3A_589 = tpu.memref_slice %arg6[%dma_start3A_585, %dma_start3A_587, %dma_start3A_588] : memref<8x256x32xf32, #tpu.memory_space<vmem>> -> memref<1x256x32xf32, #tpu.memory_space<vmem>>
    %dma_start3A_590 = tpu.memref_squeeze %dma_start3A_589 : memref<1x256x32xf32, #tpu.memory_space<vmem>> -> memref<256x32xf32, #tpu.memory_space<vmem>>
    %dma_start3A_591 = arith.constant 0 : i32
    %dma_start3A_592 = tpu.memref_slice %arg4[%add3A_584, %dma_start3A_591] : memref<131072x32xf32, #tpu.memory_space<hbm>> -> memref<256x32xf32, #tpu.memory_space<hbm>>
    %dma_start3A_593 = tpu.memref_slice %arg8[%dma_start3A_586] : memref<8x!tpu.dma_semaphore, #tpu.memory_space<semaphore_mem>> -> memref<1x!tpu.dma_semaphore, #tpu.memory_space<semaphore_mem>>
    %dma_start3A_594 = tpu.memref_squeeze %dma_start3A_593 : memref<1x!tpu.dma_semaphore, #tpu.memory_space<semaphore_mem>> -> memref<!tpu.dma_semaphore, #tpu.memory_space<semaphore_mem>>
    %dma_start3A_595 = arith.constant 0 : i32
    %dma_start3A_596 = tpu.memref_slice %arg4[%add3A_584, %dma_start3A_595] : memref<131072x32xf32, #tpu.memory_space<hbm>> -> memref<256x32xf32, #tpu.memory_space<hbm>>
    %dma_start3A_597 = arith.constant 0 : i32
    %dma_start3A_598 = arith.constant 0 : i32
    %dma_start3A_599 = tpu.memref_slice %arg6[%dma_start3A_585, %dma_start3A_597, %dma_start3A_598] : memref<8x256x32xf32, #tpu.memory_space<vmem>> -> memref<1x256x32xf32, #tpu.memory_space<vmem>>
    %dma_start3A_600 = tpu.memref_squeeze %dma_start3A_599 : memref<1x256x32xf32, #tpu.memory_space<vmem>> -> memref<256x32xf32, #tpu.memory_space<vmem>>
    tpu.enqueue_dma source(%dma_start3A_600 : memref<256x32xf32, #tpu.memory_space<vmem>>) target(%dma_start3A_596 : memref<256x32xf32, #tpu.memory_space<hbm>>) target_semaphore(%dma_start3A_594 : memref<!tpu.dma_semaphore, #tpu.memory_space<semaphore_mem>>)
    %add3A_601 = arith.constant 1536 : i32
    %add3A_602 = arith.addi %mul3A_2, %add3A_601 : i32
    %dma_wait3A_603 = arith.constant 6 : i32
    %dma_wait3A_604 = arith.constant 6 : i32
    %dma_wait3A_605 = arith.constant 0 : i32
    %dma_wait3A_606 = arith.constant 0 : i32
    %dma_wait3A_607 = tpu.memref_slice %arg6[%dma_wait3A_603, %dma_wait3A_605, %dma_wait3A_606] : memref<8x256x32xf32, #tpu.memory_space<vmem>> -> memref<1x256x32xf32, #tpu.memory_space<vmem>>
    %dma_wait3A_608 = tpu.memref_squeeze %dma_wait3A_607 : memref<1x256x32xf32, #tpu.memory_space<vmem>> -> memref<256x32xf32, #tpu.memory_space<vmem>>
    %dma_wait3A_609 = arith.constant 0 : i32
    %dma_wait3A_610 = tpu.memref_slice %arg4[%add3A_602, %dma_wait3A_609] : memref<131072x32xf32, #tpu.memory_space<hbm>> -> memref<256x32xf32, #tpu.memory_space<hbm>>
    %dma_wait3A_611 = tpu.memref_slice %arg8[%dma_wait3A_604] : memref<8x!tpu.dma_semaphore, #tpu.memory_space<semaphore_mem>> -> memref<1x!tpu.dma_semaphore, #tpu.memory_space<semaphore_mem>>
    %dma_wait3A_612 = tpu.memref_squeeze %dma_wait3A_611 : memref<1x!tpu.dma_semaphore, #tpu.memory_space<semaphore_mem>> -> memref<!tpu.dma_semaphore, #tpu.memory_space<semaphore_mem>>
    %dma_wait3A_613 = arith.constant 0 : i32
    %dma_wait3A_614 = tpu.memref_slice %arg4[%add3A_602, %dma_wait3A_613] : memref<131072x32xf32, #tpu.memory_space<hbm>> -> memref<256x32xf32, #tpu.memory_space<hbm>>
    %dma_wait3A_615 = arith.constant 0 : i32
    %dma_wait3A_616 = arith.constant 0 : i32
    %dma_wait3A_617 = tpu.memref_slice %arg6[%dma_wait3A_603, %dma_wait3A_615, %dma_wait3A_616] : memref<8x256x32xf32, #tpu.memory_space<vmem>> -> memref<1x256x32xf32, #tpu.memory_space<vmem>>
    %dma_wait3A_618 = tpu.memref_squeeze %dma_wait3A_617 : memref<1x256x32xf32, #tpu.memory_space<vmem>> -> memref<256x32xf32, #tpu.memory_space<vmem>>
    tpu.wait_dma2 semaphore(%dma_wait3A_612 : memref<!tpu.dma_semaphore, #tpu.memory_space<semaphore_mem>>) src(%dma_wait3A_618 : memref<256x32xf32, #tpu.memory_space<vmem>>) dst(%dma_wait3A_614 : memref<256x32xf32, #tpu.memory_space<hbm>>)
    %dma_start3A_619 = arith.constant 6 : i32
    %dma_start3A_620 = arith.constant 6 : i32
    %dma_start3A_621 = arith.constant 0 : i32
    %dma_start3A_622 = arith.constant 0 : i32
    %dma_start3A_623 = tpu.memref_slice %arg6[%dma_start3A_619, %dma_start3A_621, %dma_start3A_622] : memref<8x256x32xf32, #tpu.memory_space<vmem>> -> memref<1x256x32xf32, #tpu.memory_space<vmem>>
    %dma_start3A_624 = tpu.memref_squeeze %dma_start3A_623 : memref<1x256x32xf32, #tpu.memory_space<vmem>> -> memref<256x32xf32, #tpu.memory_space<vmem>>
    %dma_start3A_625 = arith.constant 3584 : i32
    %dma_start3A_626 = tpu.memref_slice %arg5[%dma_start3A_625] : memref<4096xi32, #tpu.memory_space<vmem>> -> memref<256xi32, #tpu.memory_space<vmem>>
    %dma_start3A_627 = arith.constant 0 : i32
    %dma_start3A_628 = arith.constant 0 : i32
    %dma_start3A_629 = tpu.memref_slice %arg2[%dma_start3A_627, %dma_start3A_628] : memref<2600000x32xf32, #tpu.memory_space<hbm>> -> memref<2600000x32xf32, #tpu.memory_space<hbm>>
    %dma_start3A_630 = tpu.memref_slice %arg7[%dma_start3A_620] : memref<8x!tpu.dma_semaphore, #tpu.memory_space<semaphore_mem>> -> memref<1x!tpu.dma_semaphore, #tpu.memory_space<semaphore_mem>>
    %dma_start3A_631 = tpu.memref_squeeze %dma_start3A_630 : memref<1x!tpu.dma_semaphore, #tpu.memory_space<semaphore_mem>> -> memref<!tpu.dma_semaphore, #tpu.memory_space<semaphore_mem>>
    tpu.enqueue_indirect_dma source(%dma_start3A_629 : memref<2600000x32xf32, #tpu.memory_space<hbm>>) target(%dma_start3A_624 : memref<256x32xf32, #tpu.memory_space<vmem>>) offsets(%dma_start3A_626 : memref<256xi32, #tpu.memory_space<vmem>>) semaphore(%dma_start3A_631 : memref<!tpu.dma_semaphore, #tpu.memory_space<semaphore_mem>>)
    %dma_wait3A_632 = arith.constant 2 : i32
    %dma_wait3A_633 = arith.constant 2 : i32
    %dma_wait3A_634 = arith.constant 0 : i32
    %dma_wait3A_635 = arith.constant 0 : i32
    %dma_wait3A_636 = tpu.memref_slice %arg6[%dma_wait3A_632, %dma_wait3A_634, %dma_wait3A_635] : memref<8x256x32xf32, #tpu.memory_space<vmem>> -> memref<1x256x32xf32, #tpu.memory_space<vmem>>
    %dma_wait3A_637 = tpu.memref_squeeze %dma_wait3A_636 : memref<1x256x32xf32, #tpu.memory_space<vmem>> -> memref<256x32xf32, #tpu.memory_space<vmem>>
    %dma_wait3A_638 = arith.constant 2560 : i32
    %dma_wait3A_639 = tpu.memref_slice %arg5[%dma_wait3A_638] : memref<4096xi32, #tpu.memory_space<vmem>> -> memref<256xi32, #tpu.memory_space<vmem>>
    %dma_wait3A_640 = arith.constant 0 : i32
    %dma_wait3A_641 = arith.constant 0 : i32
    %dma_wait3A_642 = tpu.memref_slice %arg2[%dma_wait3A_640, %dma_wait3A_641] : memref<2600000x32xf32, #tpu.memory_space<hbm>> -> memref<2600000x32xf32, #tpu.memory_space<hbm>>
    %dma_wait3A_643 = tpu.memref_slice %arg7[%dma_wait3A_633] : memref<8x!tpu.dma_semaphore, #tpu.memory_space<semaphore_mem>> -> memref<1x!tpu.dma_semaphore, #tpu.memory_space<semaphore_mem>>
    %dma_wait3A_644 = tpu.memref_squeeze %dma_wait3A_643 : memref<1x!tpu.dma_semaphore, #tpu.memory_space<semaphore_mem>> -> memref<!tpu.dma_semaphore, #tpu.memory_space<semaphore_mem>>
    tpu.wait_indirect_dma semaphore(%dma_wait3A_644 : memref<!tpu.dma_semaphore, #tpu.memory_space<semaphore_mem>>) src(%dma_wait3A_642 : memref<2600000x32xf32, #tpu.memory_space<hbm>>) dst(%dma_wait3A_637 : memref<256x32xf32, #tpu.memory_space<vmem>>)
    %add3A_645 = arith.constant 2560 : i32
    %add3A_646 = arith.addi %mul3A_2, %add3A_645 : i32
    %dma_start3A_647 = arith.constant 2 : i32
    %dma_start3A_648 = arith.constant 2 : i32
    %dma_start3A_649 = arith.constant 0 : i32
    %dma_start3A_650 = arith.constant 0 : i32
    %dma_start3A_651 = tpu.memref_slice %arg6[%dma_start3A_647, %dma_start3A_649, %dma_start3A_650] : memref<8x256x32xf32, #tpu.memory_space<vmem>> -> memref<1x256x32xf32, #tpu.memory_space<vmem>>
    %dma_start3A_652 = tpu.memref_squeeze %dma_start3A_651 : memref<1x256x32xf32, #tpu.memory_space<vmem>> -> memref<256x32xf32, #tpu.memory_space<vmem>>
    %dma_start3A_653 = arith.constant 0 : i32
    %dma_start3A_654 = tpu.memref_slice %arg4[%add3A_646, %dma_start3A_653] : memref<131072x32xf32, #tpu.memory_space<hbm>> -> memref<256x32xf32, #tpu.memory_space<hbm>>
    %dma_start3A_655 = tpu.memref_slice %arg8[%dma_start3A_648] : memref<8x!tpu.dma_semaphore, #tpu.memory_space<semaphore_mem>> -> memref<1x!tpu.dma_semaphore, #tpu.memory_space<semaphore_mem>>
    %dma_start3A_656 = tpu.memref_squeeze %dma_start3A_655 : memref<1x!tpu.dma_semaphore, #tpu.memory_space<semaphore_mem>> -> memref<!tpu.dma_semaphore, #tpu.memory_space<semaphore_mem>>
    %dma_start3A_657 = arith.constant 0 : i32
    %dma_start3A_658 = tpu.memref_slice %arg4[%add3A_646, %dma_start3A_657] : memref<131072x32xf32, #tpu.memory_space<hbm>> -> memref<256x32xf32, #tpu.memory_space<hbm>>
    %dma_start3A_659 = arith.constant 0 : i32
    %dma_start3A_660 = arith.constant 0 : i32
    %dma_start3A_661 = tpu.memref_slice %arg6[%dma_start3A_647, %dma_start3A_659, %dma_start3A_660] : memref<8x256x32xf32, #tpu.memory_space<vmem>> -> memref<1x256x32xf32, #tpu.memory_space<vmem>>
    %dma_start3A_662 = tpu.memref_squeeze %dma_start3A_661 : memref<1x256x32xf32, #tpu.memory_space<vmem>> -> memref<256x32xf32, #tpu.memory_space<vmem>>
    tpu.enqueue_dma source(%dma_start3A_662 : memref<256x32xf32, #tpu.memory_space<vmem>>) target(%dma_start3A_658 : memref<256x32xf32, #tpu.memory_space<hbm>>) target_semaphore(%dma_start3A_656 : memref<!tpu.dma_semaphore, #tpu.memory_space<semaphore_mem>>)
    %add3A_663 = arith.constant 1792 : i32
    %add3A_664 = arith.addi %mul3A_2, %add3A_663 : i32
    %dma_wait3A_665 = arith.constant 7 : i32
    %dma_wait3A_666 = arith.constant 7 : i32
    %dma_wait3A_667 = arith.constant 0 : i32
    %dma_wait3A_668 = arith.constant 0 : i32
    %dma_wait3A_669 = tpu.memref_slice %arg6[%dma_wait3A_665, %dma_wait3A_667, %dma_wait3A_668] : memref<8x256x32xf32, #tpu.memory_space<vmem>> -> memref<1x256x32xf32, #tpu.memory_space<vmem>>
    %dma_wait3A_670 = tpu.memref_squeeze %dma_wait3A_669 : memref<1x256x32xf32, #tpu.memory_space<vmem>> -> memref<256x32xf32, #tpu.memory_space<vmem>>
    %dma_wait3A_671 = arith.constant 0 : i32
    %dma_wait3A_672 = tpu.memref_slice %arg4[%add3A_664, %dma_wait3A_671] : memref<131072x32xf32, #tpu.memory_space<hbm>> -> memref<256x32xf32, #tpu.memory_space<hbm>>
    %dma_wait3A_673 = tpu.memref_slice %arg8[%dma_wait3A_666] : memref<8x!tpu.dma_semaphore, #tpu.memory_space<semaphore_mem>> -> memref<1x!tpu.dma_semaphore, #tpu.memory_space<semaphore_mem>>
    %dma_wait3A_674 = tpu.memref_squeeze %dma_wait3A_673 : memref<1x!tpu.dma_semaphore, #tpu.memory_space<semaphore_mem>> -> memref<!tpu.dma_semaphore, #tpu.memory_space<semaphore_mem>>
    %dma_wait3A_675 = arith.constant 0 : i32
    %dma_wait3A_676 = tpu.memref_slice %arg4[%add3A_664, %dma_wait3A_675] : memref<131072x32xf32, #tpu.memory_space<hbm>> -> memref<256x32xf32, #tpu.memory_space<hbm>>
    %dma_wait3A_677 = arith.constant 0 : i32
    %dma_wait3A_678 = arith.constant 0 : i32
    %dma_wait3A_679 = tpu.memref_slice %arg6[%dma_wait3A_665, %dma_wait3A_677, %dma_wait3A_678] : memref<8x256x32xf32, #tpu.memory_space<vmem>> -> memref<1x256x32xf32, #tpu.memory_space<vmem>>
    %dma_wait3A_680 = tpu.memref_squeeze %dma_wait3A_679 : memref<1x256x32xf32, #tpu.memory_space<vmem>> -> memref<256x32xf32, #tpu.memory_space<vmem>>
    tpu.wait_dma2 semaphore(%dma_wait3A_674 : memref<!tpu.dma_semaphore, #tpu.memory_space<semaphore_mem>>) src(%dma_wait3A_680 : memref<256x32xf32, #tpu.memory_space<vmem>>) dst(%dma_wait3A_676 : memref<256x32xf32, #tpu.memory_space<hbm>>)
    %dma_start3A_681 = arith.constant 7 : i32
    %dma_start3A_682 = arith.constant 7 : i32
    %dma_start3A_683 = arith.constant 0 : i32
    %dma_start3A_684 = arith.constant 0 : i32
    %dma_start3A_685 = tpu.memref_slice %arg6[%dma_start3A_681, %dma_start3A_683, %dma_start3A_684] : memref<8x256x32xf32, #tpu.memory_space<vmem>> -> memref<1x256x32xf32, #tpu.memory_space<vmem>>
    %dma_start3A_686 = tpu.memref_squeeze %dma_start3A_685 : memref<1x256x32xf32, #tpu.memory_space<vmem>> -> memref<256x32xf32, #tpu.memory_space<vmem>>
    %dma_start3A_687 = arith.constant 3840 : i32
    %dma_start3A_688 = tpu.memref_slice %arg5[%dma_start3A_687] : memref<4096xi32, #tpu.memory_space<vmem>> -> memref<256xi32, #tpu.memory_space<vmem>>
    %dma_start3A_689 = arith.constant 0 : i32
    %dma_start3A_690 = arith.constant 0 : i32
    %dma_start3A_691 = tpu.memref_slice %arg2[%dma_start3A_689, %dma_start3A_690] : memref<2600000x32xf32, #tpu.memory_space<hbm>> -> memref<2600000x32xf32, #tpu.memory_space<hbm>>
    %dma_start3A_692 = tpu.memref_slice %arg7[%dma_start3A_682] : memref<8x!tpu.dma_semaphore, #tpu.memory_space<semaphore_mem>> -> memref<1x!tpu.dma_semaphore, #tpu.memory_space<semaphore_mem>>
    %dma_start3A_693 = tpu.memref_squeeze %dma_start3A_692 : memref<1x!tpu.dma_semaphore, #tpu.memory_space<semaphore_mem>> -> memref<!tpu.dma_semaphore, #tpu.memory_space<semaphore_mem>>
    tpu.enqueue_indirect_dma source(%dma_start3A_691 : memref<2600000x32xf32, #tpu.memory_space<hbm>>) target(%dma_start3A_686 : memref<256x32xf32, #tpu.memory_space<vmem>>) offsets(%dma_start3A_688 : memref<256xi32, #tpu.memory_space<vmem>>) semaphore(%dma_start3A_693 : memref<!tpu.dma_semaphore, #tpu.memory_space<semaphore_mem>>)
    %dma_wait3A_694 = arith.constant 3 : i32
    %dma_wait3A_695 = arith.constant 3 : i32
    %dma_wait3A_696 = arith.constant 0 : i32
    %dma_wait3A_697 = arith.constant 0 : i32
    %dma_wait3A_698 = tpu.memref_slice %arg6[%dma_wait3A_694, %dma_wait3A_696, %dma_wait3A_697] : memref<8x256x32xf32, #tpu.memory_space<vmem>> -> memref<1x256x32xf32, #tpu.memory_space<vmem>>
    %dma_wait3A_699 = tpu.memref_squeeze %dma_wait3A_698 : memref<1x256x32xf32, #tpu.memory_space<vmem>> -> memref<256x32xf32, #tpu.memory_space<vmem>>
    %dma_wait3A_700 = arith.constant 2816 : i32
    %dma_wait3A_701 = tpu.memref_slice %arg5[%dma_wait3A_700] : memref<4096xi32, #tpu.memory_space<vmem>> -> memref<256xi32, #tpu.memory_space<vmem>>
    %dma_wait3A_702 = arith.constant 0 : i32
    %dma_wait3A_703 = arith.constant 0 : i32
    %dma_wait3A_704 = tpu.memref_slice %arg2[%dma_wait3A_702, %dma_wait3A_703] : memref<2600000x32xf32, #tpu.memory_space<hbm>> -> memref<2600000x32xf32, #tpu.memory_space<hbm>>
    %dma_wait3A_705 = tpu.memref_slice %arg7[%dma_wait3A_695] : memref<8x!tpu.dma_semaphore, #tpu.memory_space<semaphore_mem>> -> memref<1x!tpu.dma_semaphore, #tpu.memory_space<semaphore_mem>>
    %dma_wait3A_706 = tpu.memref_squeeze %dma_wait3A_705 : memref<1x!tpu.dma_semaphore, #tpu.memory_space<semaphore_mem>> -> memref<!tpu.dma_semaphore, #tpu.memory_space<semaphore_mem>>
    tpu.wait_indirect_dma semaphore(%dma_wait3A_706 : memref<!tpu.dma_semaphore, #tpu.memory_space<semaphore_mem>>) src(%dma_wait3A_704 : memref<2600000x32xf32, #tpu.memory_space<hbm>>) dst(%dma_wait3A_699 : memref<256x32xf32, #tpu.memory_space<vmem>>)
    %add3A_707 = arith.constant 2816 : i32
    %add3A_708 = arith.addi %mul3A_2, %add3A_707 : i32
    %dma_start3A_709 = arith.constant 3 : i32
    %dma_start3A_710 = arith.constant 3 : i32
    %dma_start3A_711 = arith.constant 0 : i32
    %dma_start3A_712 = arith.constant 0 : i32
    %dma_start3A_713 = tpu.memref_slice %arg6[%dma_start3A_709, %dma_start3A_711, %dma_start3A_712] : memref<8x256x32xf32, #tpu.memory_space<vmem>> -> memref<1x256x32xf32, #tpu.memory_space<vmem>>
    %dma_start3A_714 = tpu.memref_squeeze %dma_start3A_713 : memref<1x256x32xf32, #tpu.memory_space<vmem>> -> memref<256x32xf32, #tpu.memory_space<vmem>>
    %dma_start3A_715 = arith.constant 0 : i32
    %dma_start3A_716 = tpu.memref_slice %arg4[%add3A_708, %dma_start3A_715] : memref<131072x32xf32, #tpu.memory_space<hbm>> -> memref<256x32xf32, #tpu.memory_space<hbm>>
    %dma_start3A_717 = tpu.memref_slice %arg8[%dma_start3A_710] : memref<8x!tpu.dma_semaphore, #tpu.memory_space<semaphore_mem>> -> memref<1x!tpu.dma_semaphore, #tpu.memory_space<semaphore_mem>>
    %dma_start3A_718 = tpu.memref_squeeze %dma_start3A_717 : memref<1x!tpu.dma_semaphore, #tpu.memory_space<semaphore_mem>> -> memref<!tpu.dma_semaphore, #tpu.memory_space<semaphore_mem>>
    %dma_start3A_719 = arith.constant 0 : i32
    %dma_start3A_720 = tpu.memref_slice %arg4[%add3A_708, %dma_start3A_719] : memref<131072x32xf32, #tpu.memory_space<hbm>> -> memref<256x32xf32, #tpu.memory_space<hbm>>
    %dma_start3A_721 = arith.constant 0 : i32
    %dma_start3A_722 = arith.constant 0 : i32
    %dma_start3A_723 = tpu.memref_slice %arg6[%dma_start3A_709, %dma_start3A_721, %dma_start3A_722] : memref<8x256x32xf32, #tpu.memory_space<vmem>> -> memref<1x256x32xf32, #tpu.memory_space<vmem>>
    %dma_start3A_724 = tpu.memref_squeeze %dma_start3A_723 : memref<1x256x32xf32, #tpu.memory_space<vmem>> -> memref<256x32xf32, #tpu.memory_space<vmem>>
    tpu.enqueue_dma source(%dma_start3A_724 : memref<256x32xf32, #tpu.memory_space<vmem>>) target(%dma_start3A_720 : memref<256x32xf32, #tpu.memory_space<hbm>>) target_semaphore(%dma_start3A_718 : memref<!tpu.dma_semaphore, #tpu.memory_space<semaphore_mem>>)
    %dma_wait3A_725 = arith.constant 4 : i32
    %dma_wait3A_726 = arith.constant 4 : i32
    %dma_wait3A_727 = arith.constant 0 : i32
    %dma_wait3A_728 = arith.constant 0 : i32
    %dma_wait3A_729 = tpu.memref_slice %arg6[%dma_wait3A_725, %dma_wait3A_727, %dma_wait3A_728] : memref<8x256x32xf32, #tpu.memory_space<vmem>> -> memref<1x256x32xf32, #tpu.memory_space<vmem>>
    %dma_wait3A_730 = tpu.memref_squeeze %dma_wait3A_729 : memref<1x256x32xf32, #tpu.memory_space<vmem>> -> memref<256x32xf32, #tpu.memory_space<vmem>>
    %dma_wait3A_731 = arith.constant 3072 : i32
    %dma_wait3A_732 = tpu.memref_slice %arg5[%dma_wait3A_731] : memref<4096xi32, #tpu.memory_space<vmem>> -> memref<256xi32, #tpu.memory_space<vmem>>
    %dma_wait3A_733 = arith.constant 0 : i32
    %dma_wait3A_734 = arith.constant 0 : i32
    %dma_wait3A_735 = tpu.memref_slice %arg2[%dma_wait3A_733, %dma_wait3A_734] : memref<2600000x32xf32, #tpu.memory_space<hbm>> -> memref<2600000x32xf32, #tpu.memory_space<hbm>>
    %dma_wait3A_736 = tpu.memref_slice %arg7[%dma_wait3A_726] : memref<8x!tpu.dma_semaphore, #tpu.memory_space<semaphore_mem>> -> memref<1x!tpu.dma_semaphore, #tpu.memory_space<semaphore_mem>>
    %dma_wait3A_737 = tpu.memref_squeeze %dma_wait3A_736 : memref<1x!tpu.dma_semaphore, #tpu.memory_space<semaphore_mem>> -> memref<!tpu.dma_semaphore, #tpu.memory_space<semaphore_mem>>
    tpu.wait_indirect_dma semaphore(%dma_wait3A_737 : memref<!tpu.dma_semaphore, #tpu.memory_space<semaphore_mem>>) src(%dma_wait3A_735 : memref<2600000x32xf32, #tpu.memory_space<hbm>>) dst(%dma_wait3A_730 : memref<256x32xf32, #tpu.memory_space<vmem>>)
    %add3A_738 = arith.constant 3072 : i32
    %add3A_739 = arith.addi %mul3A_2, %add3A_738 : i32
    %dma_start3A_740 = arith.constant 4 : i32
    %dma_start3A_741 = arith.constant 4 : i32
    %dma_start3A_742 = arith.constant 0 : i32
    %dma_start3A_743 = arith.constant 0 : i32
    %dma_start3A_744 = tpu.memref_slice %arg6[%dma_start3A_740, %dma_start3A_742, %dma_start3A_743] : memref<8x256x32xf32, #tpu.memory_space<vmem>> -> memref<1x256x32xf32, #tpu.memory_space<vmem>>
    %dma_start3A_745 = tpu.memref_squeeze %dma_start3A_744 : memref<1x256x32xf32, #tpu.memory_space<vmem>> -> memref<256x32xf32, #tpu.memory_space<vmem>>
    %dma_start3A_746 = arith.constant 0 : i32
    %dma_start3A_747 = tpu.memref_slice %arg4[%add3A_739, %dma_start3A_746] : memref<131072x32xf32, #tpu.memory_space<hbm>> -> memref<256x32xf32, #tpu.memory_space<hbm>>
    %dma_start3A_748 = tpu.memref_slice %arg8[%dma_start3A_741] : memref<8x!tpu.dma_semaphore, #tpu.memory_space<semaphore_mem>> -> memref<1x!tpu.dma_semaphore, #tpu.memory_space<semaphore_mem>>
    %dma_start3A_749 = tpu.memref_squeeze %dma_start3A_748 : memref<1x!tpu.dma_semaphore, #tpu.memory_space<semaphore_mem>> -> memref<!tpu.dma_semaphore, #tpu.memory_space<semaphore_mem>>
    %dma_start3A_750 = arith.constant 0 : i32
    %dma_start3A_751 = tpu.memref_slice %arg4[%add3A_739, %dma_start3A_750] : memref<131072x32xf32, #tpu.memory_space<hbm>> -> memref<256x32xf32, #tpu.memory_space<hbm>>
    %dma_start3A_752 = arith.constant 0 : i32
    %dma_start3A_753 = arith.constant 0 : i32
    %dma_start3A_754 = tpu.memref_slice %arg6[%dma_start3A_740, %dma_start3A_752, %dma_start3A_753] : memref<8x256x32xf32, #tpu.memory_space<vmem>> -> memref<1x256x32xf32, #tpu.memory_space<vmem>>
    %dma_start3A_755 = tpu.memref_squeeze %dma_start3A_754 : memref<1x256x32xf32, #tpu.memory_space<vmem>> -> memref<256x32xf32, #tpu.memory_space<vmem>>
    tpu.enqueue_dma source(%dma_start3A_755 : memref<256x32xf32, #tpu.memory_space<vmem>>) target(%dma_start3A_751 : memref<256x32xf32, #tpu.memory_space<hbm>>) target_semaphore(%dma_start3A_749 : memref<!tpu.dma_semaphore, #tpu.memory_space<semaphore_mem>>)
    %dma_wait3A_756 = arith.constant 5 : i32
    %dma_wait3A_757 = arith.constant 5 : i32
    %dma_wait3A_758 = arith.constant 0 : i32
    %dma_wait3A_759 = arith.constant 0 : i32
    %dma_wait3A_760 = tpu.memref_slice %arg6[%dma_wait3A_756, %dma_wait3A_758, %dma_wait3A_759] : memref<8x256x32xf32, #tpu.memory_space<vmem>> -> memref<1x256x32xf32, #tpu.memory_space<vmem>>
    %dma_wait3A_761 = tpu.memref_squeeze %dma_wait3A_760 : memref<1x256x32xf32, #tpu.memory_space<vmem>> -> memref<256x32xf32, #tpu.memory_space<vmem>>
    %dma_wait3A_762 = arith.constant 3328 : i32
    %dma_wait3A_763 = tpu.memref_slice %arg5[%dma_wait3A_762] : memref<4096xi32, #tpu.memory_space<vmem>> -> memref<256xi32, #tpu.memory_space<vmem>>
    %dma_wait3A_764 = arith.constant 0 : i32
    %dma_wait3A_765 = arith.constant 0 : i32
    %dma_wait3A_766 = tpu.memref_slice %arg2[%dma_wait3A_764, %dma_wait3A_765] : memref<2600000x32xf32, #tpu.memory_space<hbm>> -> memref<2600000x32xf32, #tpu.memory_space<hbm>>
    %dma_wait3A_767 = tpu.memref_slice %arg7[%dma_wait3A_757] : memref<8x!tpu.dma_semaphore, #tpu.memory_space<semaphore_mem>> -> memref<1x!tpu.dma_semaphore, #tpu.memory_space<semaphore_mem>>
    %dma_wait3A_768 = tpu.memref_squeeze %dma_wait3A_767 : memref<1x!tpu.dma_semaphore, #tpu.memory_space<semaphore_mem>> -> memref<!tpu.dma_semaphore, #tpu.memory_space<semaphore_mem>>
    tpu.wait_indirect_dma semaphore(%dma_wait3A_768 : memref<!tpu.dma_semaphore, #tpu.memory_space<semaphore_mem>>) src(%dma_wait3A_766 : memref<2600000x32xf32, #tpu.memory_space<hbm>>) dst(%dma_wait3A_761 : memref<256x32xf32, #tpu.memory_space<vmem>>)
    %add3A_769 = arith.constant 3328 : i32
    %add3A_770 = arith.addi %mul3A_2, %add3A_769 : i32
    %dma_start3A_771 = arith.constant 5 : i32
    %dma_start3A_772 = arith.constant 5 : i32
    %dma_start3A_773 = arith.constant 0 : i32
    %dma_start3A_774 = arith.constant 0 : i32
    %dma_start3A_775 = tpu.memref_slice %arg6[%dma_start3A_771, %dma_start3A_773, %dma_start3A_774] : memref<8x256x32xf32, #tpu.memory_space<vmem>> -> memref<1x256x32xf32, #tpu.memory_space<vmem>>
    %dma_start3A_776 = tpu.memref_squeeze %dma_start3A_775 : memref<1x256x32xf32, #tpu.memory_space<vmem>> -> memref<256x32xf32, #tpu.memory_space<vmem>>
    %dma_start3A_777 = arith.constant 0 : i32
    %dma_start3A_778 = tpu.memref_slice %arg4[%add3A_770, %dma_start3A_777] : memref<131072x32xf32, #tpu.memory_space<hbm>> -> memref<256x32xf32, #tpu.memory_space<hbm>>
    %dma_start3A_779 = tpu.memref_slice %arg8[%dma_start3A_772] : memref<8x!tpu.dma_semaphore, #tpu.memory_space<semaphore_mem>> -> memref<1x!tpu.dma_semaphore, #tpu.memory_space<semaphore_mem>>
    %dma_start3A_780 = tpu.memref_squeeze %dma_start3A_779 : memref<1x!tpu.dma_semaphore, #tpu.memory_space<semaphore_mem>> -> memref<!tpu.dma_semaphore, #tpu.memory_space<semaphore_mem>>
    %dma_start3A_781 = arith.constant 0 : i32
    %dma_start3A_782 = tpu.memref_slice %arg4[%add3A_770, %dma_start3A_781] : memref<131072x32xf32, #tpu.memory_space<hbm>> -> memref<256x32xf32, #tpu.memory_space<hbm>>
    %dma_start3A_783 = arith.constant 0 : i32
    %dma_start3A_784 = arith.constant 0 : i32
    %dma_start3A_785 = tpu.memref_slice %arg6[%dma_start3A_771, %dma_start3A_783, %dma_start3A_784] : memref<8x256x32xf32, #tpu.memory_space<vmem>> -> memref<1x256x32xf32, #tpu.memory_space<vmem>>
    %dma_start3A_786 = tpu.memref_squeeze %dma_start3A_785 : memref<1x256x32xf32, #tpu.memory_space<vmem>> -> memref<256x32xf32, #tpu.memory_space<vmem>>
    tpu.enqueue_dma source(%dma_start3A_786 : memref<256x32xf32, #tpu.memory_space<vmem>>) target(%dma_start3A_782 : memref<256x32xf32, #tpu.memory_space<hbm>>) target_semaphore(%dma_start3A_780 : memref<!tpu.dma_semaphore, #tpu.memory_space<semaphore_mem>>)
    %dma_wait3A_787 = arith.constant 6 : i32
    %dma_wait3A_788 = arith.constant 6 : i32
    %dma_wait3A_789 = arith.constant 0 : i32
    %dma_wait3A_790 = arith.constant 0 : i32
    %dma_wait3A_791 = tpu.memref_slice %arg6[%dma_wait3A_787, %dma_wait3A_789, %dma_wait3A_790] : memref<8x256x32xf32, #tpu.memory_space<vmem>> -> memref<1x256x32xf32, #tpu.memory_space<vmem>>
    %dma_wait3A_792 = tpu.memref_squeeze %dma_wait3A_791 : memref<1x256x32xf32, #tpu.memory_space<vmem>> -> memref<256x32xf32, #tpu.memory_space<vmem>>
    %dma_wait3A_793 = arith.constant 3584 : i32
    %dma_wait3A_794 = tpu.memref_slice %arg5[%dma_wait3A_793] : memref<4096xi32, #tpu.memory_space<vmem>> -> memref<256xi32, #tpu.memory_space<vmem>>
    %dma_wait3A_795 = arith.constant 0 : i32
    %dma_wait3A_796 = arith.constant 0 : i32
    %dma_wait3A_797 = tpu.memref_slice %arg2[%dma_wait3A_795, %dma_wait3A_796] : memref<2600000x32xf32, #tpu.memory_space<hbm>> -> memref<2600000x32xf32, #tpu.memory_space<hbm>>
    %dma_wait3A_798 = tpu.memref_slice %arg7[%dma_wait3A_788] : memref<8x!tpu.dma_semaphore, #tpu.memory_space<semaphore_mem>> -> memref<1x!tpu.dma_semaphore, #tpu.memory_space<semaphore_mem>>
    %dma_wait3A_799 = tpu.memref_squeeze %dma_wait3A_798 : memref<1x!tpu.dma_semaphore, #tpu.memory_space<semaphore_mem>> -> memref<!tpu.dma_semaphore, #tpu.memory_space<semaphore_mem>>
    tpu.wait_indirect_dma semaphore(%dma_wait3A_799 : memref<!tpu.dma_semaphore, #tpu.memory_space<semaphore_mem>>) src(%dma_wait3A_797 : memref<2600000x32xf32, #tpu.memory_space<hbm>>) dst(%dma_wait3A_792 : memref<256x32xf32, #tpu.memory_space<vmem>>)
    %add3A_800 = arith.constant 3584 : i32
    %add3A_801 = arith.addi %mul3A_2, %add3A_800 : i32
    %dma_start3A_802 = arith.constant 6 : i32
    %dma_start3A_803 = arith.constant 6 : i32
    %dma_start3A_804 = arith.constant 0 : i32
    %dma_start3A_805 = arith.constant 0 : i32
    %dma_start3A_806 = tpu.memref_slice %arg6[%dma_start3A_802, %dma_start3A_804, %dma_start3A_805] : memref<8x256x32xf32, #tpu.memory_space<vmem>> -> memref<1x256x32xf32, #tpu.memory_space<vmem>>
    %dma_start3A_807 = tpu.memref_squeeze %dma_start3A_806 : memref<1x256x32xf32, #tpu.memory_space<vmem>> -> memref<256x32xf32, #tpu.memory_space<vmem>>
    %dma_start3A_808 = arith.constant 0 : i32
    %dma_start3A_809 = tpu.memref_slice %arg4[%add3A_801, %dma_start3A_808] : memref<131072x32xf32, #tpu.memory_space<hbm>> -> memref<256x32xf32, #tpu.memory_space<hbm>>
    %dma_start3A_810 = tpu.memref_slice %arg8[%dma_start3A_803] : memref<8x!tpu.dma_semaphore, #tpu.memory_space<semaphore_mem>> -> memref<1x!tpu.dma_semaphore, #tpu.memory_space<semaphore_mem>>
    %dma_start3A_811 = tpu.memref_squeeze %dma_start3A_810 : memref<1x!tpu.dma_semaphore, #tpu.memory_space<semaphore_mem>> -> memref<!tpu.dma_semaphore, #tpu.memory_space<semaphore_mem>>
    %dma_start3A_812 = arith.constant 0 : i32
    %dma_start3A_813 = tpu.memref_slice %arg4[%add3A_801, %dma_start3A_812] : memref<131072x32xf32, #tpu.memory_space<hbm>> -> memref<256x32xf32, #tpu.memory_space<hbm>>
    %dma_start3A_814 = arith.constant 0 : i32
    %dma_start3A_815 = arith.constant 0 : i32
    %dma_start3A_816 = tpu.memref_slice %arg6[%dma_start3A_802, %dma_start3A_814, %dma_start3A_815] : memref<8x256x32xf32, #tpu.memory_space<vmem>> -> memref<1x256x32xf32, #tpu.memory_space<vmem>>
    %dma_start3A_817 = tpu.memref_squeeze %dma_start3A_816 : memref<1x256x32xf32, #tpu.memory_space<vmem>> -> memref<256x32xf32, #tpu.memory_space<vmem>>
    tpu.enqueue_dma source(%dma_start3A_817 : memref<256x32xf32, #tpu.memory_space<vmem>>) target(%dma_start3A_813 : memref<256x32xf32, #tpu.memory_space<hbm>>) target_semaphore(%dma_start3A_811 : memref<!tpu.dma_semaphore, #tpu.memory_space<semaphore_mem>>)
    %dma_wait3A_818 = arith.constant 7 : i32
    %dma_wait3A_819 = arith.constant 7 : i32
    %dma_wait3A_820 = arith.constant 0 : i32
    %dma_wait3A_821 = arith.constant 0 : i32
    %dma_wait3A_822 = tpu.memref_slice %arg6[%dma_wait3A_818, %dma_wait3A_820, %dma_wait3A_821] : memref<8x256x32xf32, #tpu.memory_space<vmem>> -> memref<1x256x32xf32, #tpu.memory_space<vmem>>
    %dma_wait3A_823 = tpu.memref_squeeze %dma_wait3A_822 : memref<1x256x32xf32, #tpu.memory_space<vmem>> -> memref<256x32xf32, #tpu.memory_space<vmem>>
    %dma_wait3A_824 = arith.constant 3840 : i32
    %dma_wait3A_825 = tpu.memref_slice %arg5[%dma_wait3A_824] : memref<4096xi32, #tpu.memory_space<vmem>> -> memref<256xi32, #tpu.memory_space<vmem>>
    %dma_wait3A_826 = arith.constant 0 : i32
    %dma_wait3A_827 = arith.constant 0 : i32
    %dma_wait3A_828 = tpu.memref_slice %arg2[%dma_wait3A_826, %dma_wait3A_827] : memref<2600000x32xf32, #tpu.memory_space<hbm>> -> memref<2600000x32xf32, #tpu.memory_space<hbm>>
    %dma_wait3A_829 = tpu.memref_slice %arg7[%dma_wait3A_819] : memref<8x!tpu.dma_semaphore, #tpu.memory_space<semaphore_mem>> -> memref<1x!tpu.dma_semaphore, #tpu.memory_space<semaphore_mem>>
    %dma_wait3A_830 = tpu.memref_squeeze %dma_wait3A_829 : memref<1x!tpu.dma_semaphore, #tpu.memory_space<semaphore_mem>> -> memref<!tpu.dma_semaphore, #tpu.memory_space<semaphore_mem>>
    tpu.wait_indirect_dma semaphore(%dma_wait3A_830 : memref<!tpu.dma_semaphore, #tpu.memory_space<semaphore_mem>>) src(%dma_wait3A_828 : memref<2600000x32xf32, #tpu.memory_space<hbm>>) dst(%dma_wait3A_823 : memref<256x32xf32, #tpu.memory_space<vmem>>)
    %add3A_831 = arith.constant 3840 : i32
    %add3A_832 = arith.addi %mul3A_2, %add3A_831 : i32
    %dma_start3A_833 = arith.constant 7 : i32
    %dma_start3A_834 = arith.constant 7 : i32
    %dma_start3A_835 = arith.constant 0 : i32
    %dma_start3A_836 = arith.constant 0 : i32
    %dma_start3A_837 = tpu.memref_slice %arg6[%dma_start3A_833, %dma_start3A_835, %dma_start3A_836] : memref<8x256x32xf32, #tpu.memory_space<vmem>> -> memref<1x256x32xf32, #tpu.memory_space<vmem>>
    %dma_start3A_838 = tpu.memref_squeeze %dma_start3A_837 : memref<1x256x32xf32, #tpu.memory_space<vmem>> -> memref<256x32xf32, #tpu.memory_space<vmem>>
    %dma_start3A_839 = arith.constant 0 : i32
    %dma_start3A_840 = tpu.memref_slice %arg4[%add3A_832, %dma_start3A_839] : memref<131072x32xf32, #tpu.memory_space<hbm>> -> memref<256x32xf32, #tpu.memory_space<hbm>>
    %dma_start3A_841 = tpu.memref_slice %arg8[%dma_start3A_834] : memref<8x!tpu.dma_semaphore, #tpu.memory_space<semaphore_mem>> -> memref<1x!tpu.dma_semaphore, #tpu.memory_space<semaphore_mem>>
    %dma_start3A_842 = tpu.memref_squeeze %dma_start3A_841 : memref<1x!tpu.dma_semaphore, #tpu.memory_space<semaphore_mem>> -> memref<!tpu.dma_semaphore, #tpu.memory_space<semaphore_mem>>
    %dma_start3A_843 = arith.constant 0 : i32
    %dma_start3A_844 = tpu.memref_slice %arg4[%add3A_832, %dma_start3A_843] : memref<131072x32xf32, #tpu.memory_space<hbm>> -> memref<256x32xf32, #tpu.memory_space<hbm>>
    %dma_start3A_845 = arith.constant 0 : i32
    %dma_start3A_846 = arith.constant 0 : i32
    %dma_start3A_847 = tpu.memref_slice %arg6[%dma_start3A_833, %dma_start3A_845, %dma_start3A_846] : memref<8x256x32xf32, #tpu.memory_space<vmem>> -> memref<1x256x32xf32, #tpu.memory_space<vmem>>
    %dma_start3A_848 = tpu.memref_squeeze %dma_start3A_847 : memref<1x256x32xf32, #tpu.memory_space<vmem>> -> memref<256x32xf32, #tpu.memory_space<vmem>>
    tpu.enqueue_dma source(%dma_start3A_848 : memref<256x32xf32, #tpu.memory_space<vmem>>) target(%dma_start3A_844 : memref<256x32xf32, #tpu.memory_space<hbm>>) target_semaphore(%dma_start3A_842 : memref<!tpu.dma_semaphore, #tpu.memory_space<semaphore_mem>>)
    %add3A_849 = arith.constant 2048 : i32
    %add3A_850 = arith.addi %mul3A_2, %add3A_849 : i32
    %dma_wait3A_851 = arith.constant 0 : i32
    %dma_wait3A_852 = arith.constant 0 : i32
    %dma_wait3A_853 = arith.constant 0 : i32
    %dma_wait3A_854 = arith.constant 0 : i32
    %dma_wait3A_855 = tpu.memref_slice %arg6[%dma_wait3A_851, %dma_wait3A_853, %dma_wait3A_854] : memref<8x256x32xf32, #tpu.memory_space<vmem>> -> memref<1x256x32xf32, #tpu.memory_space<vmem>>
    %dma_wait3A_856 = tpu.memref_squeeze %dma_wait3A_855 : memref<1x256x32xf32, #tpu.memory_space<vmem>> -> memref<256x32xf32, #tpu.memory_space<vmem>>
    %dma_wait3A_857 = arith.constant 0 : i32
    %dma_wait3A_858 = tpu.memref_slice %arg4[%add3A_850, %dma_wait3A_857] : memref<131072x32xf32, #tpu.memory_space<hbm>> -> memref<256x32xf32, #tpu.memory_space<hbm>>
    %dma_wait3A_859 = tpu.memref_slice %arg8[%dma_wait3A_852] : memref<8x!tpu.dma_semaphore, #tpu.memory_space<semaphore_mem>> -> memref<1x!tpu.dma_semaphore, #tpu.memory_space<semaphore_mem>>
    %dma_wait3A_860 = tpu.memref_squeeze %dma_wait3A_859 : memref<1x!tpu.dma_semaphore, #tpu.memory_space<semaphore_mem>> -> memref<!tpu.dma_semaphore, #tpu.memory_space<semaphore_mem>>
    %dma_wait3A_861 = arith.constant 0 : i32
    %dma_wait3A_862 = tpu.memref_slice %arg4[%add3A_850, %dma_wait3A_861] : memref<131072x32xf32, #tpu.memory_space<hbm>> -> memref<256x32xf32, #tpu.memory_space<hbm>>
    %dma_wait3A_863 = arith.constant 0 : i32
    %dma_wait3A_864 = arith.constant 0 : i32
    %dma_wait3A_865 = tpu.memref_slice %arg6[%dma_wait3A_851, %dma_wait3A_863, %dma_wait3A_864] : memref<8x256x32xf32, #tpu.memory_space<vmem>> -> memref<1x256x32xf32, #tpu.memory_space<vmem>>
    %dma_wait3A_866 = tpu.memref_squeeze %dma_wait3A_865 : memref<1x256x32xf32, #tpu.memory_space<vmem>> -> memref<256x32xf32, #tpu.memory_space<vmem>>
    tpu.wait_dma2 semaphore(%dma_wait3A_860 : memref<!tpu.dma_semaphore, #tpu.memory_space<semaphore_mem>>) src(%dma_wait3A_866 : memref<256x32xf32, #tpu.memory_space<vmem>>) dst(%dma_wait3A_862 : memref<256x32xf32, #tpu.memory_space<hbm>>)
    %add3A_867 = arith.constant 2304 : i32
    %add3A_868 = arith.addi %mul3A_2, %add3A_867 : i32
    %dma_wait3A_869 = arith.constant 1 : i32
    %dma_wait3A_870 = arith.constant 1 : i32
    %dma_wait3A_871 = arith.constant 0 : i32
    %dma_wait3A_872 = arith.constant 0 : i32
    %dma_wait3A_873 = tpu.memref_slice %arg6[%dma_wait3A_869, %dma_wait3A_871, %dma_wait3A_872] : memref<8x256x32xf32, #tpu.memory_space<vmem>> -> memref<1x256x32xf32, #tpu.memory_space<vmem>>
    %dma_wait3A_874 = tpu.memref_squeeze %dma_wait3A_873 : memref<1x256x32xf32, #tpu.memory_space<vmem>> -> memref<256x32xf32, #tpu.memory_space<vmem>>
    %dma_wait3A_875 = arith.constant 0 : i32
    %dma_wait3A_876 = tpu.memref_slice %arg4[%add3A_868, %dma_wait3A_875] : memref<131072x32xf32, #tpu.memory_space<hbm>> -> memref<256x32xf32, #tpu.memory_space<hbm>>
    %dma_wait3A_877 = tpu.memref_slice %arg8[%dma_wait3A_870] : memref<8x!tpu.dma_semaphore, #tpu.memory_space<semaphore_mem>> -> memref<1x!tpu.dma_semaphore, #tpu.memory_space<semaphore_mem>>
    %dma_wait3A_878 = tpu.memref_squeeze %dma_wait3A_877 : memref<1x!tpu.dma_semaphore, #tpu.memory_space<semaphore_mem>> -> memref<!tpu.dma_semaphore, #tpu.memory_space<semaphore_mem>>
    %dma_wait3A_879 = arith.constant 0 : i32
    %dma_wait3A_880 = tpu.memref_slice %arg4[%add3A_868, %dma_wait3A_879] : memref<131072x32xf32, #tpu.memory_space<hbm>> -> memref<256x32xf32, #tpu.memory_space<hbm>>
    %dma_wait3A_881 = arith.constant 0 : i32
    %dma_wait3A_882 = arith.constant 0 : i32
    %dma_wait3A_883 = tpu.memref_slice %arg6[%dma_wait3A_869, %dma_wait3A_881, %dma_wait3A_882] : memref<8x256x32xf32, #tpu.memory_space<vmem>> -> memref<1x256x32xf32, #tpu.memory_space<vmem>>
    %dma_wait3A_884 = tpu.memref_squeeze %dma_wait3A_883 : memref<1x256x32xf32, #tpu.memory_space<vmem>> -> memref<256x32xf32, #tpu.memory_space<vmem>>
    tpu.wait_dma2 semaphore(%dma_wait3A_878 : memref<!tpu.dma_semaphore, #tpu.memory_space<semaphore_mem>>) src(%dma_wait3A_884 : memref<256x32xf32, #tpu.memory_space<vmem>>) dst(%dma_wait3A_880 : memref<256x32xf32, #tpu.memory_space<hbm>>)
    %add3A_885 = arith.constant 2560 : i32
    %add3A_886 = arith.addi %mul3A_2, %add3A_885 : i32
    %dma_wait3A_887 = arith.constant 2 : i32
    %dma_wait3A_888 = arith.constant 2 : i32
    %dma_wait3A_889 = arith.constant 0 : i32
    %dma_wait3A_890 = arith.constant 0 : i32
    %dma_wait3A_891 = tpu.memref_slice %arg6[%dma_wait3A_887, %dma_wait3A_889, %dma_wait3A_890] : memref<8x256x32xf32, #tpu.memory_space<vmem>> -> memref<1x256x32xf32, #tpu.memory_space<vmem>>
    %dma_wait3A_892 = tpu.memref_squeeze %dma_wait3A_891 : memref<1x256x32xf32, #tpu.memory_space<vmem>> -> memref<256x32xf32, #tpu.memory_space<vmem>>
    %dma_wait3A_893 = arith.constant 0 : i32
    %dma_wait3A_894 = tpu.memref_slice %arg4[%add3A_886, %dma_wait3A_893] : memref<131072x32xf32, #tpu.memory_space<hbm>> -> memref<256x32xf32, #tpu.memory_space<hbm>>
    %dma_wait3A_895 = tpu.memref_slice %arg8[%dma_wait3A_888] : memref<8x!tpu.dma_semaphore, #tpu.memory_space<semaphore_mem>> -> memref<1x!tpu.dma_semaphore, #tpu.memory_space<semaphore_mem>>
    %dma_wait3A_896 = tpu.memref_squeeze %dma_wait3A_895 : memref<1x!tpu.dma_semaphore, #tpu.memory_space<semaphore_mem>> -> memref<!tpu.dma_semaphore, #tpu.memory_space<semaphore_mem>>
    %dma_wait3A_897 = arith.constant 0 : i32
    %dma_wait3A_898 = tpu.memref_slice %arg4[%add3A_886, %dma_wait3A_897] : memref<131072x32xf32, #tpu.memory_space<hbm>> -> memref<256x32xf32, #tpu.memory_space<hbm>>
    %dma_wait3A_899 = arith.constant 0 : i32
    %dma_wait3A_900 = arith.constant 0 : i32
    %dma_wait3A_901 = tpu.memref_slice %arg6[%dma_wait3A_887, %dma_wait3A_899, %dma_wait3A_900] : memref<8x256x32xf32, #tpu.memory_space<vmem>> -> memref<1x256x32xf32, #tpu.memory_space<vmem>>
    %dma_wait3A_902 = tpu.memref_squeeze %dma_wait3A_901 : memref<1x256x32xf32, #tpu.memory_space<vmem>> -> memref<256x32xf32, #tpu.memory_space<vmem>>
    tpu.wait_dma2 semaphore(%dma_wait3A_896 : memref<!tpu.dma_semaphore, #tpu.memory_space<semaphore_mem>>) src(%dma_wait3A_902 : memref<256x32xf32, #tpu.memory_space<vmem>>) dst(%dma_wait3A_898 : memref<256x32xf32, #tpu.memory_space<hbm>>)
    %add3A_903 = arith.constant 2816 : i32
    %add3A_904 = arith.addi %mul3A_2, %add3A_903 : i32
    %dma_wait3A_905 = arith.constant 3 : i32
    %dma_wait3A_906 = arith.constant 3 : i32
    %dma_wait3A_907 = arith.constant 0 : i32
    %dma_wait3A_908 = arith.constant 0 : i32
    %dma_wait3A_909 = tpu.memref_slice %arg6[%dma_wait3A_905, %dma_wait3A_907, %dma_wait3A_908] : memref<8x256x32xf32, #tpu.memory_space<vmem>> -> memref<1x256x32xf32, #tpu.memory_space<vmem>>
    %dma_wait3A_910 = tpu.memref_squeeze %dma_wait3A_909 : memref<1x256x32xf32, #tpu.memory_space<vmem>> -> memref<256x32xf32, #tpu.memory_space<vmem>>
    %dma_wait3A_911 = arith.constant 0 : i32
    %dma_wait3A_912 = tpu.memref_slice %arg4[%add3A_904, %dma_wait3A_911] : memref<131072x32xf32, #tpu.memory_space<hbm>> -> memref<256x32xf32, #tpu.memory_space<hbm>>
    %dma_wait3A_913 = tpu.memref_slice %arg8[%dma_wait3A_906] : memref<8x!tpu.dma_semaphore, #tpu.memory_space<semaphore_mem>> -> memref<1x!tpu.dma_semaphore, #tpu.memory_space<semaphore_mem>>
    %dma_wait3A_914 = tpu.memref_squeeze %dma_wait3A_913 : memref<1x!tpu.dma_semaphore, #tpu.memory_space<semaphore_mem>> -> memref<!tpu.dma_semaphore, #tpu.memory_space<semaphore_mem>>
    %dma_wait3A_915 = arith.constant 0 : i32
    %dma_wait3A_916 = tpu.memref_slice %arg4[%add3A_904, %dma_wait3A_915] : memref<131072x32xf32, #tpu.memory_space<hbm>> -> memref<256x32xf32, #tpu.memory_space<hbm>>
    %dma_wait3A_917 = arith.constant 0 : i32
    %dma_wait3A_918 = arith.constant 0 : i32
    %dma_wait3A_919 = tpu.memref_slice %arg6[%dma_wait3A_905, %dma_wait3A_917, %dma_wait3A_918] : memref<8x256x32xf32, #tpu.memory_space<vmem>> -> memref<1x256x32xf32, #tpu.memory_space<vmem>>
    %dma_wait3A_920 = tpu.memref_squeeze %dma_wait3A_919 : memref<1x256x32xf32, #tpu.memory_space<vmem>> -> memref<256x32xf32, #tpu.memory_space<vmem>>
    tpu.wait_dma2 semaphore(%dma_wait3A_914 : memref<!tpu.dma_semaphore, #tpu.memory_space<semaphore_mem>>) src(%dma_wait3A_920 : memref<256x32xf32, #tpu.memory_space<vmem>>) dst(%dma_wait3A_916 : memref<256x32xf32, #tpu.memory_space<hbm>>)
    %add3A_921 = arith.constant 3072 : i32
    %add3A_922 = arith.addi %mul3A_2, %add3A_921 : i32
    %dma_wait3A_923 = arith.constant 4 : i32
    %dma_wait3A_924 = arith.constant 4 : i32
    %dma_wait3A_925 = arith.constant 0 : i32
    %dma_wait3A_926 = arith.constant 0 : i32
    %dma_wait3A_927 = tpu.memref_slice %arg6[%dma_wait3A_923, %dma_wait3A_925, %dma_wait3A_926] : memref<8x256x32xf32, #tpu.memory_space<vmem>> -> memref<1x256x32xf32, #tpu.memory_space<vmem>>
    %dma_wait3A_928 = tpu.memref_squeeze %dma_wait3A_927 : memref<1x256x32xf32, #tpu.memory_space<vmem>> -> memref<256x32xf32, #tpu.memory_space<vmem>>
    %dma_wait3A_929 = arith.constant 0 : i32
    %dma_wait3A_930 = tpu.memref_slice %arg4[%add3A_922, %dma_wait3A_929] : memref<131072x32xf32, #tpu.memory_space<hbm>> -> memref<256x32xf32, #tpu.memory_space<hbm>>
    %dma_wait3A_931 = tpu.memref_slice %arg8[%dma_wait3A_924] : memref<8x!tpu.dma_semaphore, #tpu.memory_space<semaphore_mem>> -> memref<1x!tpu.dma_semaphore, #tpu.memory_space<semaphore_mem>>
    %dma_wait3A_932 = tpu.memref_squeeze %dma_wait3A_931 : memref<1x!tpu.dma_semaphore, #tpu.memory_space<semaphore_mem>> -> memref<!tpu.dma_semaphore, #tpu.memory_space<semaphore_mem>>
    %dma_wait3A_933 = arith.constant 0 : i32
    %dma_wait3A_934 = tpu.memref_slice %arg4[%add3A_922, %dma_wait3A_933] : memref<131072x32xf32, #tpu.memory_space<hbm>> -> memref<256x32xf32, #tpu.memory_space<hbm>>
    %dma_wait3A_935 = arith.constant 0 : i32
    %dma_wait3A_936 = arith.constant 0 : i32
    %dma_wait3A_937 = tpu.memref_slice %arg6[%dma_wait3A_923, %dma_wait3A_935, %dma_wait3A_936] : memref<8x256x32xf32, #tpu.memory_space<vmem>> -> memref<1x256x32xf32, #tpu.memory_space<vmem>>
    %dma_wait3A_938 = tpu.memref_squeeze %dma_wait3A_937 : memref<1x256x32xf32, #tpu.memory_space<vmem>> -> memref<256x32xf32, #tpu.memory_space<vmem>>
    tpu.wait_dma2 semaphore(%dma_wait3A_932 : memref<!tpu.dma_semaphore, #tpu.memory_space<semaphore_mem>>) src(%dma_wait3A_938 : memref<256x32xf32, #tpu.memory_space<vmem>>) dst(%dma_wait3A_934 : memref<256x32xf32, #tpu.memory_space<hbm>>)
    %add3A_939 = arith.constant 3328 : i32
    %add3A_940 = arith.addi %mul3A_2, %add3A_939 : i32
    %dma_wait3A_941 = arith.constant 5 : i32
    %dma_wait3A_942 = arith.constant 5 : i32
    %dma_wait3A_943 = arith.constant 0 : i32
    %dma_wait3A_944 = arith.constant 0 : i32
    %dma_wait3A_945 = tpu.memref_slice %arg6[%dma_wait3A_941, %dma_wait3A_943, %dma_wait3A_944] : memref<8x256x32xf32, #tpu.memory_space<vmem>> -> memref<1x256x32xf32, #tpu.memory_space<vmem>>
    %dma_wait3A_946 = tpu.memref_squeeze %dma_wait3A_945 : memref<1x256x32xf32, #tpu.memory_space<vmem>> -> memref<256x32xf32, #tpu.memory_space<vmem>>
    %dma_wait3A_947 = arith.constant 0 : i32
    %dma_wait3A_948 = tpu.memref_slice %arg4[%add3A_940, %dma_wait3A_947] : memref<131072x32xf32, #tpu.memory_space<hbm>> -> memref<256x32xf32, #tpu.memory_space<hbm>>
    %dma_wait3A_949 = tpu.memref_slice %arg8[%dma_wait3A_942] : memref<8x!tpu.dma_semaphore, #tpu.memory_space<semaphore_mem>> -> memref<1x!tpu.dma_semaphore, #tpu.memory_space<semaphore_mem>>
    %dma_wait3A_950 = tpu.memref_squeeze %dma_wait3A_949 : memref<1x!tpu.dma_semaphore, #tpu.memory_space<semaphore_mem>> -> memref<!tpu.dma_semaphore, #tpu.memory_space<semaphore_mem>>
    %dma_wait3A_951 = arith.constant 0 : i32
    %dma_wait3A_952 = tpu.memref_slice %arg4[%add3A_940, %dma_wait3A_951] : memref<131072x32xf32, #tpu.memory_space<hbm>> -> memref<256x32xf32, #tpu.memory_space<hbm>>
    %dma_wait3A_953 = arith.constant 0 : i32
    %dma_wait3A_954 = arith.constant 0 : i32
    %dma_wait3A_955 = tpu.memref_slice %arg6[%dma_wait3A_941, %dma_wait3A_953, %dma_wait3A_954] : memref<8x256x32xf32, #tpu.memory_space<vmem>> -> memref<1x256x32xf32, #tpu.memory_space<vmem>>
    %dma_wait3A_956 = tpu.memref_squeeze %dma_wait3A_955 : memref<1x256x32xf32, #tpu.memory_space<vmem>> -> memref<256x32xf32, #tpu.memory_space<vmem>>
    tpu.wait_dma2 semaphore(%dma_wait3A_950 : memref<!tpu.dma_semaphore, #tpu.memory_space<semaphore_mem>>) src(%dma_wait3A_956 : memref<256x32xf32, #tpu.memory_space<vmem>>) dst(%dma_wait3A_952 : memref<256x32xf32, #tpu.memory_space<hbm>>)
    %add3A_957 = arith.constant 3584 : i32
    %add3A_958 = arith.addi %mul3A_2, %add3A_957 : i32
    %dma_wait3A_959 = arith.constant 6 : i32
    %dma_wait3A_960 = arith.constant 6 : i32
    %dma_wait3A_961 = arith.constant 0 : i32
    %dma_wait3A_962 = arith.constant 0 : i32
    %dma_wait3A_963 = tpu.memref_slice %arg6[%dma_wait3A_959, %dma_wait3A_961, %dma_wait3A_962] : memref<8x256x32xf32, #tpu.memory_space<vmem>> -> memref<1x256x32xf32, #tpu.memory_space<vmem>>
    %dma_wait3A_964 = tpu.memref_squeeze %dma_wait3A_963 : memref<1x256x32xf32, #tpu.memory_space<vmem>> -> memref<256x32xf32, #tpu.memory_space<vmem>>
    %dma_wait3A_965 = arith.constant 0 : i32
    %dma_wait3A_966 = tpu.memref_slice %arg4[%add3A_958, %dma_wait3A_965] : memref<131072x32xf32, #tpu.memory_space<hbm>> -> memref<256x32xf32, #tpu.memory_space<hbm>>
    %dma_wait3A_967 = tpu.memref_slice %arg8[%dma_wait3A_960] : memref<8x!tpu.dma_semaphore, #tpu.memory_space<semaphore_mem>> -> memref<1x!tpu.dma_semaphore, #tpu.memory_space<semaphore_mem>>
    %dma_wait3A_968 = tpu.memref_squeeze %dma_wait3A_967 : memref<1x!tpu.dma_semaphore, #tpu.memory_space<semaphore_mem>> -> memref<!tpu.dma_semaphore, #tpu.memory_space<semaphore_mem>>
    %dma_wait3A_969 = arith.constant 0 : i32
    %dma_wait3A_970 = tpu.memref_slice %arg4[%add3A_958, %dma_wait3A_969] : memref<131072x32xf32, #tpu.memory_space<hbm>> -> memref<256x32xf32, #tpu.memory_space<hbm>>
    %dma_wait3A_971 = arith.constant 0 : i32
    %dma_wait3A_972 = arith.constant 0 : i32
    %dma_wait3A_973 = tpu.memref_slice %arg6[%dma_wait3A_959, %dma_wait3A_971, %dma_wait3A_972] : memref<8x256x32xf32, #tpu.memory_space<vmem>> -> memref<1x256x32xf32, #tpu.memory_space<vmem>>
    %dma_wait3A_974 = tpu.memref_squeeze %dma_wait3A_973 : memref<1x256x32xf32, #tpu.memory_space<vmem>> -> memref<256x32xf32, #tpu.memory_space<vmem>>
    tpu.wait_dma2 semaphore(%dma_wait3A_968 : memref<!tpu.dma_semaphore, #tpu.memory_space<semaphore_mem>>) src(%dma_wait3A_974 : memref<256x32xf32, #tpu.memory_space<vmem>>) dst(%dma_wait3A_970 : memref<256x32xf32, #tpu.memory_space<hbm>>)
    %add3A_975 = arith.constant 3840 : i32
    %add3A_976 = arith.addi %mul3A_2, %add3A_975 : i32
    %dma_wait3A_977 = arith.constant 7 : i32
    %dma_wait3A_978 = arith.constant 7 : i32
    %dma_wait3A_979 = arith.constant 0 : i32
    %dma_wait3A_980 = arith.constant 0 : i32
    %dma_wait3A_981 = tpu.memref_slice %arg6[%dma_wait3A_977, %dma_wait3A_979, %dma_wait3A_980] : memref<8x256x32xf32, #tpu.memory_space<vmem>> -> memref<1x256x32xf32, #tpu.memory_space<vmem>>
    %dma_wait3A_982 = tpu.memref_squeeze %dma_wait3A_981 : memref<1x256x32xf32, #tpu.memory_space<vmem>> -> memref<256x32xf32, #tpu.memory_space<vmem>>
    %dma_wait3A_983 = arith.constant 0 : i32
    %dma_wait3A_984 = tpu.memref_slice %arg4[%add3A_976, %dma_wait3A_983] : memref<131072x32xf32, #tpu.memory_space<hbm>> -> memref<256x32xf32, #tpu.memory_space<hbm>>
    %dma_wait3A_985 = tpu.memref_slice %arg8[%dma_wait3A_978] : memref<8x!tpu.dma_semaphore, #tpu.memory_space<semaphore_mem>> -> memref<1x!tpu.dma_semaphore, #tpu.memory_space<semaphore_mem>>
    %dma_wait3A_986 = tpu.memref_squeeze %dma_wait3A_985 : memref<1x!tpu.dma_semaphore, #tpu.memory_space<semaphore_mem>> -> memref<!tpu.dma_semaphore, #tpu.memory_space<semaphore_mem>>
    %dma_wait3A_987 = arith.constant 0 : i32
    %dma_wait3A_988 = tpu.memref_slice %arg4[%add3A_976, %dma_wait3A_987] : memref<131072x32xf32, #tpu.memory_space<hbm>> -> memref<256x32xf32, #tpu.memory_space<hbm>>
    %dma_wait3A_989 = arith.constant 0 : i32
    %dma_wait3A_990 = arith.constant 0 : i32
    %dma_wait3A_991 = tpu.memref_slice %arg6[%dma_wait3A_977, %dma_wait3A_989, %dma_wait3A_990] : memref<8x256x32xf32, #tpu.memory_space<vmem>> -> memref<1x256x32xf32, #tpu.memory_space<vmem>>
    %dma_wait3A_992 = tpu.memref_squeeze %dma_wait3A_991 : memref<1x256x32xf32, #tpu.memory_space<vmem>> -> memref<256x32xf32, #tpu.memory_space<vmem>>
    tpu.wait_dma2 semaphore(%dma_wait3A_986 : memref<!tpu.dma_semaphore, #tpu.memory_space<semaphore_mem>>) src(%dma_wait3A_992 : memref<256x32xf32, #tpu.memory_space<vmem>>) dst(%dma_wait3A_988 : memref<256x32xf32, #tpu.memory_space<hbm>>)
    return
  }
}

module attributes {stable_mosaic.version = 14 : i64} {
  func.func @_tc_body(%arg0: i32, %arg1: memref<256x16xf32, #tpu.memory_space<vmem>>, %arg2: memref<256x1024xf32, #tpu.memory_space<vmem>>, %arg3: memref<16x512xf32, #tpu.memory_space<vmem>>, %arg4: memref<1x512xf32, #tpu.memory_space<vmem>>, %arg5: memref<512x512xf32, #tpu.memory_space<vmem>>, %arg6: memref<1x512xf32, #tpu.memory_space<vmem>>, %arg7: memref<512x32xf32, #tpu.memory_space<vmem>>, %arg8: memref<1x32xf32, #tpu.memory_space<vmem>>, %arg9: memref<32x1024xf32, #tpu.memory_space<vmem>>, %arg10: memref<1024x1024xf32, #tpu.memory_space<vmem>>, %arg11: memref<1x1024xf32, #tpu.memory_space<vmem>>, %arg12: memref<1024x1024xf32, #tpu.memory_space<vmem>>, %arg13: memref<1x1024xf32, #tpu.memory_space<vmem>>, %arg14: memref<1024x1xf32, #tpu.memory_space<vmem>>, %arg15: memref<1x1xf32, #tpu.memory_space<vmem>>, %arg16: memref<256x1xf32, #tpu.memory_space<vmem>>) attributes {dimension_semantics = [#tpu.dimension_semantics<arbitrary>], iteration_bounds = array<i64: 16>, scalar_prefetch = 0 : i64, scratch_operands = 0 : i64, tpu.core_type = #tpu.core_type<tc>, window_params = [{transform_indices = @transform_0, window_bounds = array<i64: 256, 16>}, {transform_indices = @transform_1, window_bounds = array<i64: 256, 1024>}, {pipeline_mode = #tpu.pipeline_mode<synchronous>, transform_indices = @transform_2, window_bounds = array<i64: 16, 512>}, {pipeline_mode = #tpu.pipeline_mode<synchronous>, transform_indices = @transform_3, window_bounds = array<i64: 1, 512>}, {pipeline_mode = #tpu.pipeline_mode<synchronous>, transform_indices = @transform_4, window_bounds = array<i64: 512, 512>}, {pipeline_mode = #tpu.pipeline_mode<synchronous>, transform_indices = @transform_5, window_bounds = array<i64: 1, 512>}, {pipeline_mode = #tpu.pipeline_mode<synchronous>, transform_indices = @transform_6, window_bounds = array<i64: 512, 32>}, {pipeline_mode = #tpu.pipeline_mode<synchronous>, transform_indices = @transform_7, window_bounds = array<i64: 1, 32>}, {pipeline_mode = #tpu.pipeline_mode<synchronous>, transform_indices = @transform_8, window_bounds = array<i64: 32, 1024>}, {pipeline_mode = #tpu.pipeline_mode<synchronous>, transform_indices = @transform_9, window_bounds = array<i64: 1024, 1024>}, {pipeline_mode = #tpu.pipeline_mode<synchronous>, transform_indices = @transform_10, window_bounds = array<i64: 1, 1024>}, {pipeline_mode = #tpu.pipeline_mode<synchronous>, transform_indices = @transform_11, window_bounds = array<i64: 1024, 1024>}, {pipeline_mode = #tpu.pipeline_mode<synchronous>, transform_indices = @transform_12, window_bounds = array<i64: 1, 1024>}, {pipeline_mode = #tpu.pipeline_mode<synchronous>, transform_indices = @transform_13, window_bounds = array<i64: 1024, 1>}, {pipeline_mode = #tpu.pipeline_mode<synchronous>, transform_indices = @transform_14, window_bounds = array<i64: 1, 1>}, {transform_indices = @transform_15, window_bounds = array<i64: 256, 1>}]} {
    %get3A = arith.constant 0 : index
    %get3A_0 = arith.constant 0 : index
    %get3A_1 = vector.load %arg1[%get3A, %get3A_0] : memref<256x16xf32, #tpu.memory_space<vmem>>, vector<256x16xf32>
    %get3A_2 = arith.constant 0 : index
    %get3A_3 = arith.constant 0 : index
    %get3A_4 = vector.load %arg3[%get3A_2, %get3A_3] : memref<16x512xf32, #tpu.memory_space<vmem>>, vector<16x512xf32>
    %dot_general3A = arith.constant dense<0.000000e+00> : vector<256x512xf32>
    %dot_general3A_5 = tpu.matmul %get3A_1, %get3A_4, %dot_general3A {dimension_numbers = #tpu.dot_dimension_numbers<[1], [0], [0], [1], [0, 0, 1, 1], [], []>, transpose_lhs_hint = false} : vector<256x16xf32>, vector<16x512xf32>, vector<256x512xf32> -> vector<256x512xf32>
    %get3A_6 = arith.constant 0 : index
    %get3A_7 = arith.constant 0 : index
    %get3A_8 = vector.load %arg4[%get3A_6, %get3A_7] : memref<1x512xf32, #tpu.memory_space<vmem>>, vector<1x512xf32>
    %add3A = vector.broadcast %get3A_8 : vector<1x512xf32> to vector<256x512xf32>
    %add3A_9 = arith.addf %dot_general3A_5, %add3A : vector<256x512xf32>
    %max3A = arith.constant 0.000000e+00 : f32
    %max3A_10 = vector.broadcast %max3A : f32 to vector<256x512xf32>
    %max3A_11 = arith.maximumf %add3A_9, %max3A_10 : vector<256x512xf32>
    %get3A_12 = arith.constant 0 : index
    %get3A_13 = arith.constant 0 : index
    %get3A_14 = vector.load %arg5[%get3A_12, %get3A_13] : memref<512x512xf32, #tpu.memory_space<vmem>>, vector<512x512xf32>
    %dot_general3A_15 = arith.constant dense<0.000000e+00> : vector<256x512xf32>
    %dot_general3A_16 = tpu.matmul %max3A_11, %get3A_14, %dot_general3A_15 {dimension_numbers = #tpu.dot_dimension_numbers<[1], [0], [0], [1], [0, 0, 1, 1], [], []>, transpose_lhs_hint = false} : vector<256x512xf32>, vector<512x512xf32>, vector<256x512xf32> -> vector<256x512xf32>
    %get3A_17 = arith.constant 0 : index
    %get3A_18 = arith.constant 0 : index
    %get3A_19 = vector.load %arg6[%get3A_17, %get3A_18] : memref<1x512xf32, #tpu.memory_space<vmem>>, vector<1x512xf32>
    %add3A_20 = vector.broadcast %get3A_19 : vector<1x512xf32> to vector<256x512xf32>
    %add3A_21 = arith.addf %dot_general3A_16, %add3A_20 : vector<256x512xf32>
    %max3A_22 = arith.constant 0.000000e+00 : f32
    %max3A_23 = vector.broadcast %max3A_22 : f32 to vector<256x512xf32>
    %max3A_24 = arith.maximumf %add3A_21, %max3A_23 : vector<256x512xf32>
    %get3A_25 = arith.constant 0 : index
    %get3A_26 = arith.constant 0 : index
    %get3A_27 = vector.load %arg7[%get3A_25, %get3A_26] : memref<512x32xf32, #tpu.memory_space<vmem>>, vector<512x32xf32>
    %dot_general3A_28 = arith.constant dense<0.000000e+00> : vector<256x32xf32>
    %dot_general3A_29 = tpu.matmul %max3A_24, %get3A_27, %dot_general3A_28 {dimension_numbers = #tpu.dot_dimension_numbers<[1], [0], [0], [1], [0, 0, 1, 1], [], []>, transpose_lhs_hint = false} : vector<256x512xf32>, vector<512x32xf32>, vector<256x32xf32> -> vector<256x32xf32>
    %get3A_30 = arith.constant 0 : index
    %get3A_31 = arith.constant 0 : index
    %get3A_32 = vector.load %arg8[%get3A_30, %get3A_31] : memref<1x32xf32, #tpu.memory_space<vmem>>, vector<1x32xf32>
    %add3A_33 = vector.broadcast %get3A_32 : vector<1x32xf32> to vector<256x32xf32>
    %add3A_34 = arith.addf %dot_general3A_29, %add3A_33 : vector<256x32xf32>
    %logistic3A = arith.negf %add3A_34 : vector<256x32xf32>
    %logistic3A_35 = math.exp %logistic3A : vector<256x32xf32>
    %logistic3A_36 = arith.constant 1.000000e+00 : f32
    %logistic3A_37 = vector.broadcast %logistic3A_36 : f32 to vector<256x32xf32>
    %logistic3A_38 = arith.addf %logistic3A_37, %logistic3A_35 : vector<256x32xf32>
    %logistic3A_39 = arith.divf %logistic3A_37, %logistic3A_38 : vector<256x32xf32>
    %iota3A = tpu.iota {dimensions = array<i32: 1>} : vector<256x1024xi32>
    %lt3A = arith.constant 832 : i32
    %lt3A_40 = vector.broadcast %lt3A : i32 to vector<256x1024xi32>
    %lt3A_41 = arith.cmpi slt, %iota3A, %lt3A_40 : vector<256x1024xi32>
    %get3A_42 = arith.constant 0 : index
    %get3A_43 = arith.constant 0 : index
    %get3A_44 = vector.load %arg2[%get3A_42, %get3A_43] : memref<256x1024xf32, #tpu.memory_space<vmem>>, vector<256x1024xf32>
    %jit3A = arith.constant 0.000000e+00 : f32
    %broadcast_in_dim3A = vector.broadcast %jit3A : f32 to vector<256x1024xf32>
    %select_n3A = arith.select %lt3A_41, %get3A_44, %broadcast_in_dim3A : vector<256x1024xi1>, vector<256x1024xf32>
    %iota3A_45 = tpu.iota {dimensions = array<i32: 0>} : vector<32x1024xi32>
    %iota3A_46 = tpu.iota {dimensions = array<i32: 1>} : vector<32x1024xi32>
    %sub3A = arith.constant 832 : i32
    %sub3A_47 = vector.broadcast %sub3A : i32 to vector<32x1024xi32>
    %sub3A_48 = arith.subi %iota3A_46, %sub3A_47 : vector<32x1024xi32>
    %eq3A = arith.cmpi eq, %sub3A_48, %iota3A_45 : vector<32x1024xi32>
    %convert_element_type3A = arith.extui %eq3A : vector<32x1024xi1> to vector<32x1024xi32>
    %convert_element_type3A_49 = arith.sitofp %convert_element_type3A : vector<32x1024xi32> to vector<32x1024xf32>
    %dot_general3A_50 = arith.constant dense<0.000000e+00> : vector<256x1024xf32>
    %dot_general3A_51 = tpu.matmul %logistic3A_39, %convert_element_type3A_49, %dot_general3A_50 {dimension_numbers = #tpu.dot_dimension_numbers<[1], [0], [0], [1], [0, 0, 1, 1], [], []>, transpose_lhs_hint = false} : vector<256x32xf32>, vector<32x1024xf32>, vector<256x1024xf32> -> vector<256x1024xf32>
    %add3A_52 = arith.addf %select_n3A, %dot_general3A_51 : vector<256x1024xf32>
    %reshape3A = vector.shape_cast %add3A_52 : vector<256x1024xf32> to vector<256x32x32xf32>
    %dot_general3A_53 = arith.constant dense<0.000000e+00> : vector<256x32x32xf32>
    %dot_general3A_54 = tpu.matmul %reshape3A, %reshape3A, %dot_general3A_53 {dimension_numbers = #tpu.dot_dimension_numbers<[2], [2], [1], [1], [0, 0, 0, 1, 1, 1], [0], [0]>, transpose_lhs_hint = false} : vector<256x32x32xf32>, vector<256x32x32xf32>, vector<256x32x32xf32> -> vector<256x32x32xf32>
    %reshape3A_55 = vector.shape_cast %dot_general3A_54 : vector<256x32x32xf32> to vector<256x1024xf32>
    %get3A_56 = arith.constant 0 : index
    %get3A_57 = arith.constant 0 : index
    %get3A_58 = vector.load %arg9[%get3A_56, %get3A_57] : memref<32x1024xf32, #tpu.memory_space<vmem>>, vector<32x1024xf32>
    %dot_general3A_59 = arith.constant dense<0.000000e+00> : vector<256x1024xf32>
    %dot_general3A_60 = tpu.matmul %logistic3A_39, %get3A_58, %dot_general3A_59 {dimension_numbers = #tpu.dot_dimension_numbers<[1], [0], [0], [1], [0, 0, 1, 1], [], []>, transpose_lhs_hint = false} : vector<256x32xf32>, vector<32x1024xf32>, vector<256x1024xf32> -> vector<256x1024xf32>
    %get3A_61 = arith.constant 0 : index
    %get3A_62 = arith.constant 0 : index
    %get3A_63 = vector.load %arg10[%get3A_61, %get3A_62] : memref<1024x1024xf32, #tpu.memory_space<vmem>>, vector<1024x1024xf32>
    %dot_general3A_64 = arith.constant dense<0.000000e+00> : vector<256x1024xf32>
    %dot_general3A_65 = tpu.matmul %reshape3A_55, %get3A_63, %dot_general3A_64 {dimension_numbers = #tpu.dot_dimension_numbers<[1], [0], [0], [1], [0, 0, 1, 1], [], []>, transpose_lhs_hint = false} : vector<256x1024xf32>, vector<1024x1024xf32>, vector<256x1024xf32> -> vector<256x1024xf32>
    %add3A_66 = arith.addf %dot_general3A_60, %dot_general3A_65 : vector<256x1024xf32>
    %get3A_67 = arith.constant 0 : index
    %get3A_68 = arith.constant 0 : index
    %get3A_69 = vector.load %arg11[%get3A_67, %get3A_68] : memref<1x1024xf32, #tpu.memory_space<vmem>>, vector<1x1024xf32>
    %add3A_70 = vector.broadcast %get3A_69 : vector<1x1024xf32> to vector<256x1024xf32>
    %add3A_71 = arith.addf %add3A_66, %add3A_70 : vector<256x1024xf32>
    %max3A_72 = arith.constant 0.000000e+00 : f32
    %max3A_73 = vector.broadcast %max3A_72 : f32 to vector<256x1024xf32>
    %max3A_74 = arith.maximumf %add3A_71, %max3A_73 : vector<256x1024xf32>
    %get3A_75 = arith.constant 0 : index
    %get3A_76 = arith.constant 0 : index
    %get3A_77 = vector.load %arg12[%get3A_75, %get3A_76] : memref<1024x1024xf32, #tpu.memory_space<vmem>>, vector<1024x1024xf32>
    %dot_general3A_78 = arith.constant dense<0.000000e+00> : vector<256x1024xf32>
    %dot_general3A_79 = tpu.matmul %max3A_74, %get3A_77, %dot_general3A_78 {dimension_numbers = #tpu.dot_dimension_numbers<[1], [0], [0], [1], [0, 0, 1, 1], [], []>, transpose_lhs_hint = false} : vector<256x1024xf32>, vector<1024x1024xf32>, vector<256x1024xf32> -> vector<256x1024xf32>
    %get3A_80 = arith.constant 0 : index
    %get3A_81 = arith.constant 0 : index
    %get3A_82 = vector.load %arg13[%get3A_80, %get3A_81] : memref<1x1024xf32, #tpu.memory_space<vmem>>, vector<1x1024xf32>
    %add3A_83 = vector.broadcast %get3A_82 : vector<1x1024xf32> to vector<256x1024xf32>
    %add3A_84 = arith.addf %dot_general3A_79, %add3A_83 : vector<256x1024xf32>
    %max3A_85 = arith.constant 0.000000e+00 : f32
    %max3A_86 = vector.broadcast %max3A_85 : f32 to vector<256x1024xf32>
    %max3A_87 = arith.maximumf %add3A_84, %max3A_86 : vector<256x1024xf32>
    %get3A_88 = arith.constant 0 : index
    %get3A_89 = arith.constant 0 : index
    %get3A_90 = vector.load %arg14[%get3A_88, %get3A_89] : memref<1024x1xf32, #tpu.memory_space<vmem>>, vector<1024x1xf32>
    %dot_general3A_91 = arith.constant dense<0.000000e+00> : vector<256x1xf32>
    %dot_general3A_92 = tpu.matmul %max3A_87, %get3A_90, %dot_general3A_91 {dimension_numbers = #tpu.dot_dimension_numbers<[1], [0], [0], [1], [0, 0, 1, 1], [], []>, transpose_lhs_hint = false} : vector<256x1024xf32>, vector<1024x1xf32>, vector<256x1xf32> -> vector<256x1xf32>
    %get3A_93 = arith.constant 0 : index
    %get3A_94 = arith.constant 0 : index
    %get3A_95 = vector.load %arg15[%get3A_93, %get3A_94] : memref<1x1xf32, #tpu.memory_space<vmem>>, vector<1x1xf32>
    %add3A_96 = vector.broadcast %get3A_95 : vector<1x1xf32> to vector<256x1xf32>
    %add3A_97 = arith.addf %dot_general3A_92, %add3A_96 : vector<256x1xf32>
    %swap3A = arith.constant 0 : index
    %swap3A_98 = arith.constant 0 : index
    %swap3A_99 = vector.load %arg16[%swap3A, %swap3A_98] : memref<256x1xf32, #tpu.memory_space<vmem>>, vector<256x1xf32>
    tpu.vector_store %arg16[%swap3A, %swap3A_98], %add3A_97 {strides = array<i32>} : memref<256x1xf32, #tpu.memory_space<vmem>>, vector<256x1xf32>,
    return
  }
  func.func @transform_0(%arg0: i32) -> (i32, i32) {
    %c0_i32 = arith.constant 0 : i32
    %c0_i32_0 = arith.constant 0 : i32
    return %arg0, %c0_i32 : i32, i32
  }
  func.func @transform_1(%arg0: i32) -> (i32, i32) {
    %c0_i32 = arith.constant 0 : i32
    %c0_i32_0 = arith.constant 0 : i32
    return %arg0, %c0_i32 : i32, i32
  }
  func.func @transform_2(%arg0: i32) -> (i32, i32) {
    %c0_i32 = arith.constant 0 : i32
    %c0_i32_0 = arith.constant 0 : i32
    %c0_i32_1 = arith.constant 0 : i32
    return %c0_i32, %c0_i32_0 : i32, i32
  }
  func.func @transform_3(%arg0: i32) -> (i32, i32) {
    %c0_i32 = arith.constant 0 : i32
    %c0_i32_0 = arith.constant 0 : i32
    %c0_i32_1 = arith.constant 0 : i32
    return %c0_i32, %c0_i32_0 : i32, i32
  }
  func.func @transform_4(%arg0: i32) -> (i32, i32) {
    %c0_i32 = arith.constant 0 : i32
    %c0_i32_0 = arith.constant 0 : i32
    %c0_i32_1 = arith.constant 0 : i32
    return %c0_i32, %c0_i32_0 : i32, i32
  }
  func.func @transform_5(%arg0: i32) -> (i32, i32) {
    %c0_i32 = arith.constant 0 : i32
    %c0_i32_0 = arith.constant 0 : i32
    %c0_i32_1 = arith.constant 0 : i32
    return %c0_i32, %c0_i32_0 : i32, i32
  }
  func.func @transform_6(%arg0: i32) -> (i32, i32) {
    %c0_i32 = arith.constant 0 : i32
    %c0_i32_0 = arith.constant 0 : i32
    %c0_i32_1 = arith.constant 0 : i32
    return %c0_i32, %c0_i32_0 : i32, i32
  }
  func.func @transform_7(%arg0: i32) -> (i32, i32) {
    %c0_i32 = arith.constant 0 : i32
    %c0_i32_0 = arith.constant 0 : i32
    %c0_i32_1 = arith.constant 0 : i32
    return %c0_i32, %c0_i32_0 : i32, i32
  }
  func.func @transform_8(%arg0: i32) -> (i32, i32) {
    %c0_i32 = arith.constant 0 : i32
    %c0_i32_0 = arith.constant 0 : i32
    %c0_i32_1 = arith.constant 0 : i32
    return %c0_i32, %c0_i32_0 : i32, i32
  }
  func.func @transform_9(%arg0: i32) -> (i32, i32) {
    %c0_i32 = arith.constant 0 : i32
    %c0_i32_0 = arith.constant 0 : i32
    %c0_i32_1 = arith.constant 0 : i32
    return %c0_i32, %c0_i32_0 : i32, i32
  }
  func.func @transform_10(%arg0: i32) -> (i32, i32) {
    %c0_i32 = arith.constant 0 : i32
    %c0_i32_0 = arith.constant 0 : i32
    %c0_i32_1 = arith.constant 0 : i32
    return %c0_i32, %c0_i32_0 : i32, i32
  }
  func.func @transform_11(%arg0: i32) -> (i32, i32) {
    %c0_i32 = arith.constant 0 : i32
    %c0_i32_0 = arith.constant 0 : i32
    %c0_i32_1 = arith.constant 0 : i32
    return %c0_i32, %c0_i32_0 : i32, i32
  }
  func.func @transform_12(%arg0: i32) -> (i32, i32) {
    %c0_i32 = arith.constant 0 : i32
    %c0_i32_0 = arith.constant 0 : i32
    %c0_i32_1 = arith.constant 0 : i32
    return %c0_i32, %c0_i32_0 : i32, i32
  }
  func.func @transform_13(%arg0: i32) -> (i32, i32) {
    %c0_i32 = arith.constant 0 : i32
    %c0_i32_0 = arith.constant 0 : i32
    %c0_i32_1 = arith.constant 0 : i32
    return %c0_i32, %c0_i32_0 : i32, i32
  }
  func.func @transform_14(%arg0: i32) -> (i32, i32) {
    %c0_i32 = arith.constant 0 : i32
    %c0_i32_0 = arith.constant 0 : i32
    %c0_i32_1 = arith.constant 0 : i32
    return %c0_i32, %c0_i32_0 : i32, i32
  }
  func.func @transform_15(%arg0: i32) -> (i32, i32) {
    %c0_i32 = arith.constant 0 : i32
    %c0_i32_0 = arith.constant 0 : i32
    return %arg0, %c0_i32 : i32, i32
  }
}

</mosaic_0001>

<sc_bundles>
// kernel: kernel.4.cloned.1.call-start
scs
__scs_entry_jumppad:
0x0: {  	(pc) =	sbr.rel $0x88, $3  }
0x1: {  	(tag) =	ssettag $0x0;
	lr =	simm.s32 $0x1  }
0x2: {  	[smem:$0x3F92] =	sst lr;
	_ =	strace $0xD0000000  }
0x3: {  	_ = 	snop  }
0x4: {  	_ = 	snop  }
0x5: {  	_ = 	snop  }
0x6: {  	_ = 	snop  }
0x7: {  	_ = 	snop  }
__scs_overlays_trampoline_lowered:
0x8: {  	[smem:$0x3FA1] =	sst s0  }
0x9: {  	[smem:$0x3FA2] =	sst s1  }
0xa: {  	[smem:$0x3FA3] =	sst s2  }
0xb: {  	[smem:$0x3FA4] =	sst s3  }
0xc: {  	[smem:$0x3FA5] =	sst s4  }
0xd: {  	[smem:$0x3FA6] =	sst s5  }
0xe: {  	[smem:$0x3FA7] =	sst s6  }
0xf: {  	[smem:$0x3FA8] =	sst s7  }
0x10: {  	[smem:$0x3FA9] =	sst s8  }
0x11: {  	[smem:$0x3FAA] =	sst s9;
	s0 =	simm.s32 @!p0 $0x0  }
0x12: {  	s1 =	sld [smem:$0x3F90];
	s0 =	simm.s32 @p0 $0x1  }
0x13: {  	[smem:$0x3FAB] =	sst s0;
	s0 =	simm.s32 @!p1 $0x0  }
0x14: {  	s2 =	sld [smem:$0x3F8F];
	s0 =	simm.s32 @p1 $0x1  }
0x15: {  	[smem:$0x3FAC] =	sst s0;
	s0 =	simm.s32 @!p2 $0x0  }
0x16: {  	s3 =	sld [smem:$0x3FDB];
	s0 =	simm.s32 @p2 $0x1  }
0x17: {  	s4 =	simm.s32 $0x1BF5;
	[smem:$0x3FAE] =	sst s0  }
0x18: {  	s0 =	sld [smem:$0x3F91];
	_ =	swait.ge [sflag:s4], $0x0  }
0x19: {  	s7 =	sld [smem:$0x3F92]  }
0x1a: {  	s8 =	sadd.s32 $0xFFFFE003, lr  }
0x1b: {  	s9 =	sadd.s32 $0xFFFFFEF7, lr;
	s5 =	simm.s32 $0xFFFFFFFF;
	p2 =	slt.u32 s8, $0xFFFFF086  }
0x1c: {  	p1 =	slt.u32 s9, $0xF7A;
	s5 =	simm.s32 @!p2 $0x0  }
0x1d: {  	s5 =	simm.s32 @p1 $0x1;
	p0 =	seq.s32 s7, s2  }
0x1e: {  	s7 =	smul.u32 @!p0 $0xF7A, s2;
	p2 =	seq.s32 @!p0 s5, $0x0  }
0x1f: {  	s9 =	smul.u32 $0xF7A, s1;
	s8 =	simm.s32 @!p0 $0x1BF5;
	p2 =	por !p2, p0  }
0x20: {  	[sflag:s8] =	ssyncset.s32 @!p0 $0xFFFFF086;
	s6 =	sadd.s32 @!p0 s3, s7;
	s7 =	simm.s32 @!p0 $0x108  }
0x21: {  	s3 =	sadd.s32 s3, s9;
	s6 =	sadd.s32 @!p0 $0x88, s6;
	s7 =	simm.s32 @p2 $0x1082  }
0x22: {  	[simem:s7], [sflag:s8] =	dma.local @!p0 [hbm:s6], $0xF7A  }
0x23: {  	s9 =	sor.u32 $0xD0000000, s2;
	s6 =	simm.s32 $0x108;
	_ =	swait.ge @!p0 [sflag:s8], $0x0  }
0x24: {  	s3 =	sadd.s32 $0x88, s3;
	s6 =	simm.s32 @!p1 $0x1082;
	[sflag:s4] =	ssyncset.s32 $0xFFFFF086  }
0x25: {  	[simem:s6], [sflag:s4] =	dma.local [hbm:s3], $0xF7A  }
0x26: {  	[smem:$0x3F92] =	sst s1;
	(tag) =	ssettag s2;
	_ =	strace s9  }
0x27: {  	s1 =	sld [smem:$0x3FA2]  }
0x28: {  	s2 =	sld [smem:$0x3FA3]  }
0x29: {  	s4 =	sld [smem:$0x3FA5]  }
0x2a: {  	p0 =	seq.s32 s5, $0x0;
	s5 =	sld [smem:$0x3FA6]  }
0x2b: {  	s6 =	sld [smem:$0x3FA7]  }
0x2c: {  	s7 =	sld [smem:$0x3FA8]  }
0x2d: {  	s3 =	simm.s32 $0x108;
	s8 =	sld [smem:$0x3FA9]  }
0x2e: {  	s3 =	simm.s32 @!p0 $0x1082;
	s9 =	sld [smem:$0x3FAA]  }
0x2f: {  	lr =	sadd.s32 s0, s3;
	s0 =	sld [smem:$0x3FA1]  }
0x30: {  	s3 =	sld [smem:$0x3FA4]  }
0x31: {  	[smem:$0x3FAD] =	sst s10  }
0x32: {  	s10 =	sld [smem:$0x3FAB];
	_ =	sdelay $0x3  }
0x33: {  	p0 =	seq.s32 s10, $0x1;
	s10 =	sld [smem:$0x3FAD];
	_ =	sdelay $0x3  }
0x34: {  	[smem:$0x3FAD] =	sst s10  }
0x35: {  	s10 =	sld [smem:$0x3FAC];
	_ =	sdelay $0x3  }
0x36: {  	p1 =	seq.s32 s10, $0x1;
	s10 =	sld [smem:$0x3FAD];
	_ =	sdelay $0x3  }
0x37: {  	[smem:$0x3FAD] =	sst s10  }
0x38: {  	s10 =	sld [smem:$0x3FAE]  }
0x39: {  	_ = 	snop;
	(pc) =	sbr.ind lr, $3  }
0x3a: {  	_ = 	snop  }
0x3b: {  	_ = 	snop  }
0x3c: {  	p2 =	seq.s32 s10, $0x1;
	s10 =	sld [smem:$0x3FAD]  }
0x3d: {  	_ =	shalt  }
0x3e: {  	_ =	shalt  }
0x3f: {  	_ =	shalt  }
0x40: {  	_ =	shalt  }
0x41: {  	_ =	shalt  }
0x42: {  	_ =	shalt  }
0x43: {  	_ =	shalt  }
0x44: {  	_ =	shalt  }
0x45: {  	_ =	shalt  }
0x46: {  	_ =	shalt  }
0x47: {  	_ =	shalt  }
0x48: {  	_ =	shalt  }
0x49: {  	_ =	shalt  }
0x4a: {  	_ =	shalt  }
0x4b: {  	_ =	shalt  }
0x4c: {  	_ =	shalt  }
0x4d: {  	_ =	shalt  }
0x4e: {  	_ =	shalt  }
0x4f: {  	_ =	shalt  }
0x50: {  	_ =	shalt  }
0x51: {  	_ =	shalt  }
0x52: {  	_ =	shalt  }
0x53: {  	_ =	shalt  }
0x54: {  	_ =	shalt  }
0x55: {  	_ =	shalt  }
0x56: {  	_ =	shalt  }
0x57: {  	_ =	shalt  }
0x58: {  	_ =	shalt  }
0x59: {  	_ =	shalt  }
0x5a: {  	_ =	shalt  }
0x5b: {  	_ =	shalt  }
0x5c: {  	_ =	shalt  }
0x5d: {  	_ =	shalt  }
0x5e: {  	_ =	shalt  }
0x5f: {  	_ =	shalt  }
0x60: {  	_ =	shalt  }
0x61: {  	_ =	shalt  }
0x62: {  	_ =	shalt  }
0x63: {  	_ =	shalt  }
0x64: {  	_ =	shalt  }
0x65: {  	_ =	shalt  }
0x66: {  	_ =	shalt  }
0x67: {  	_ =	shalt  }
0x68: {  	_ =	shalt  }
0x69: {  	_ =	shalt  }
0x6a: {  	_ =	shalt  }
0x6b: {  	_ =	shalt  }
0x6c: {  	_ =	shalt  }
0x6d: {  	_ =	shalt  }
0x6e: {  	_ =	shalt  }
0x6f: {  	_ =	shalt  }
0x70: {  	_ =	shalt  }
0x71: {  	_ =	shalt  }
0x72: {  	_ =	shalt  }
0x73: {  	_ =	shalt  }
0x74: {  	_ =	shalt  }
0x75: {  	_ =	shalt  }
0x76: {  	_ =	shalt  }
0x77: {  	_ =	shalt  }
0x78: {  	_ =	shalt  }
0x79: {  	_ =	shalt  }
0x7a: {  	_ =	shalt  }
0x7b: {  	_ =	shalt  }
0x7c: {  	_ =	shalt  }
0x7d: {  	_ =	shalt  }
0x7e: {  	_ =	shalt  }
0x7f: {  	_ =	shalt  }
0x80: {  	_ =	shalt  }
0x81: {  	_ =	shalt  }
0x82: {  	_ =	shalt  }
0x83: {  	_ =	shalt  }
0x84: {  	_ =	shalt  }
0x85: {  	_ =	shalt  }
0x86: {  	_ =	shalt  }
0x87: {  	_ =	shalt  }
.Lfunc_end0:
.L_simem_size_0:
called_computation_lowered:
.L_overlay_start_0:
0x88: {  	s2 =	sld [smem:$0x3FD9]  }
0x89: {  	s3 =	sld [smem:$0x3FFE];
	_ =	sdelay $0x1  }
0x8a: {  	s1 =	srdreg.scid  }
0x8b: {  	s0 =	sand.u32 $0x1, s1  }
0x8c: {  	s16 =	sshll.u32 s0, $0xA;
	s2 =	sadd.s32 s3, s2  }
0x8d: {  	s2 =	sadd.s32 s2, s16  }
0x8e: {  	[smem:$0x3FB9] =	sst s2  }
0x8f: {  	_ = 	snop  }
0x90: {  	(tm) =	ssettm $0x1  }
0x91: {  	s17 =	sld [smem:$0x3FFB];
	_ =	sdelay $0x3  }
0x92: {  	_ =	strace s17  }
0x93: {  	s2 =	sld [smem:$0x3FFC];
	_ =	sdelay $0x3  }
0x94: {  	_ =	strace s2  }
0x95: {  	s2 =	sld [smem:$0x3FFD];
	_ =	sdelay $0x3  }
0x96: {  	_ =	strace s2  }
0x97: {  	_ =	strace $0x8FFFFFFF  }
0x98: {  	s18 =	sld [smem:$0x3FDB];
	_ =	sdelay $0x1  }
0x99: {  	s19 =	simm.s32 $_scs_section_size  }
0x9a: {  	s4 =	simm.s32 $_size__tile_overlayer_lowered;
	s5 =	simm.s32 $_tile_overlayer_lowered  }
0x9b: {  	s22 =	simm.s32 $0x1BFF;
	s21 =	sshll.u32 s5, $0x1;
	s2 =	sadd.s32 s19, s18  }
0x9c: {  	s6 =	simm.s32 $0x0;
	s20 =	sshll.u32 s4, $0x1;
	s4 =	sadd.s32 s21, s2  }
0x9d: {  	[timem:s6], [sflag:s22] =	dma.local [hbm:s4], s20  }
0x9e: {  	_ =	swait.ge [sflag:s22], s20  }
0x9f: {  	s3 =	ssub.s32 $0x0, s20;
	[sflag:s22] =	ssyncset.done $0x0  }
0xa0: {  	[sflag:s22] =	ssyncadd.s32 s3;
	_ =	sdelay $0x1  }
0xa1: {  	s23 =	simm.s32 $0x1B8B  }
0xa2: {  	_ =	swait.ge [sflag:s23], $0x1  }
0xa3: {  	[sflag:s23] =	ssyncset.done $0x0  }
0xa4: {  	s25 =	simm.s32 $0x1B8E;
	s24 =	sld [smem:$0x3FFE];
	[sflag:s23] =	ssyncadd.s32 $0xFFFFFFFF  }
0xa5: {  	s26 =	simm.s32 $execute0_lowered;
	[smem:$0x3FD2] =	sst s25  }
0xa6: {  	s4 =	sshll.u32 s26, $0x1;
	_ =	strace $0x80000046;
	[dreg:$0x1] =	wrdreg $0xFFFFFFFF  }
0xa7: {  	s28 =	simm.s32 $_size_execute0_lowered;
	s2 =	sadd.s32 s2, s4;
	[dreg:$0x0] =	wrdreg $0x0  }
0xa8: {  	s4 =	sshll.u32 s28, $0x1;
	[dreg:$0x2] =	wrdreg s2  }
0xa9: {  	[dreg:$0x3] =	wrdreg s4  }
0xaa: {  	[dreg:$0x4] =	wrdreg $0xC0  }
0xab: {  	_ =	task [dreg:s6], $0x5FFFF  }
0xac: {  	[dreg:$0x1] =	wrdreg $0xFFFFFFFF  }
0xad: {  	[dreg:$0x0] =	wrdreg $0x60  }
0xae: {  	[dreg:$0x2] =	wrdreg s24  }
0xaf: {  	[dreg:$0x3] =	wrdreg $0x9  }
0xb0: {  	_ =	task.clear_ibuf [dreg:s6], $0x4FFFF;
	_ =	strace $0x90000046  }
0xb1: {  	s29 =	simm.s32 $0x9;
	_ =	strace $0x80000048  }
0xb2: {  	_ =	swait.ge [sflag:s29], $0x1  }
0xb3: {  	[sflag:s29] =	ssyncadd.s32 $0xFFFFFFFF  }
0xb4: {  	_ =	strace $0x90000048  }
0xb5: {  	_ =	sfence  }
0xb6: {  	s30 =	sld [smem:$0x0];
	_ =	sdelay $0x2  }
0xb7: {  	s31 =	sshll.u32 s1, $0xD;
	s1 =	sshrl.u32 s1, $0x2  }
0xb8: {  	s3 =	sand.u32 $0x4000, s31;
	s1 =	sadd.s32 s1, s30  }
0xb9: {  	s0 =	sor.u32 s3, s0;
	s1 =	sshll.u32 s1, $0x11  }
0xba: {  	s0 =	sor.u32 s1, s0  }
0xbb: {  	s0 =	sadd.s32 $0x8F2B, s0  }
0xbc: {  	[sflag:s0] =	ssyncadd.remote.s32 $0x1  }
0xbd: {  	_ =	sfence.sel $0xFFFF  }
0xbe: {  	[dreg:$0x0] =	wrdreg $0xFFFFFFFF;
	(pc) =	sbr.abs _section_cstart, $3  }
0xbf: {  	[dreg:$0x1] =	wrdreg $0xFFFFFFFF  }
0xc0: {  	_ =	task.clear_ibuf [dreg:s6], $0x2FFFF;
	_ =	strace $0x9FFFFFFF  }
0xc1: {  	(tm) =	ssettm $0x7FFFFFFF  }
tec
execute0_lowered:
.L_overlay_start_1:
0x0: {  	(tag) =	ssettag $0x1  }
0x1: {  	s0 =	srdreg.scid  }
0x2: {  	s1 =	stileid.u32;
	s3 =	rddreg [dreg:$0x0];
	s0 =	sand.u32 $0x1, s0  }
0x3: {  	s1 =	sshll.u32 s1, $0xD;
	s2 =	sshll.u32 s0, $0xC;
	s0 =	ssub.s32 $0x2, s0  }
0x4: {  	s1 =	sor.u32 s2, s1;
	s2 =	simm.s32 $0x0;
	s5 =	sshrl.u32 s0, $0x1  }
0x5: {  	s26 =	simm.s32 $0x200;
	[smem:$0x7FF] =	sst s2;
	s0 =	ssub.s32 s0, s5  }
0x6: {  	s5 =	simm.s32 $0x400;
	_ =	strace $0x80000047;
	[dreg:$0x13] =	wrdreg s26  }
0x7: {  	s7 =	simm.s32 $0x500;
	s8 =	simm.s32 $0x600;
	[dreg:$0x15] =	wrdreg s5  }
0x8: {  	s10 =	simm.s32 $0x700;
	s4 =	sshrl.u32 s1, $0x3;
	[dreg:$0x16] =	wrdreg s7  }
0x9: {  	s1 =	sshll.u32 s1, $0x2;
	s4 =	sadd.s32 s4, s3;
	[dreg:$0x17] =	wrdreg s8  }
0xa: {  	s1 =	sadd.s32 s1, s3;
	[dreg:$0x18] =	wrdreg s10;
	s4 =	sadd.s32 $0x2800, s4  }
0xb: {  	s11 =	sadd.s32 $0x6800, s1;
	[dreg:$0x2] =	wrdreg s4  }
0xc: {  	s12 =	sadd.s32 $0x6C00, s1;
	[dreg:$0x3] =	wrdreg s11  }
0xd: {  	s31 =	simm.s32 $0x11;
	s13 =	sadd.s32 $0x7000, s1;
	[dreg:$0x4] =	wrdreg s12  }
0xe: {  	s6 =	simm.s32 $0x100;
	s14 =	sadd.s32 $0x7400, s1;
	[dreg:$0x5] =	wrdreg s13  }
0xf: {  	s9 =	simm.s32 $0x9000;
	s15 =	sadd.s32 $0x7800, s1;
	[dreg:$0x6] =	wrdreg s14  }
0x10: {  	s29 =	simm.s32 $0x1;
	s16 =	sadd.s32 $0x7C00, s1;
	[dreg:$0x7] =	wrdreg s15  }
0x11: {  	s28 =	simm.s32 $0x2;
	s17 =	sadd.s32 $0x8000, s1;
	[dreg:$0x8] =	wrdreg s16  }
0x12: {  	p0 =	por $0x0, $0x0;
	s18 =	sadd.s32 $0x8400, s1;
	[dreg:$0x9] =	wrdreg s17  }
0x13: {  	s3 =	sadd.s32 $0x27AEC00, s3;
	s19 =	sadd.s32 $0x8800, s1;
	[dreg:$0xa] =	wrdreg s18  }
0x14: {  	s0 =	smax.u32 s0, $0x1;
	s20 =	sadd.s32 $0x8C00, s1;
	[dreg:$0xb] =	wrdreg s19  }
0x15: {  	s7 =	simm.s32 $0xB000;
	s21 =	sadd.s32 $0x9000, s1;
	[dreg:$0xc] =	wrdreg s20  }
0x16: {  	s8 =	simm.s32 $0xD000;
	s22 =	sadd.s32 $0x9400, s1;
	[dreg:$0xd] =	wrdreg s21  }
0x17: {  	s26 =	simm.s32 $0x3;
	s23 =	sadd.s32 $0x9800, s1;
	[dreg:$0xe] =	wrdreg s22  }
0x18: {  	s5 =	simm.s32 $0x9;
	s24 =	sadd.s32 $0x9C00, s1;
	[dreg:$0xf] =	wrdreg s23  }
0x19: {  	s10 =	simm.s32 $0xA;
	s25 =	sadd.s32 $0xA000, s1;
	[dreg:$0x10] =	wrdreg s24  }
0x1a: {  	s1 =	sadd.s32 $0xA400, s1;
	p1 =	sne.s32 s0, $0x1;
	[dreg:$0x11] =	wrdreg s25  }
0x1b: {  	s30 =	sadd.s32 $0xFFFFFFFF, s0;
	[dreg:$0x12] =	wrdreg s1;
	s25 =	simm.s32 $0x1000  }
0x1c: {  	s4 =	simm.s32 $0x300;
	s19 =	simm.s32 $0x3000;
	s18 =	simm.s32 $0x5000  }
0x1d: {  	s11 =	simm.s32 $0x7000;
	s12 =	simm.s32 $0x800;
	[dreg:$0x14] =	wrdreg s4  }
0x1e: {  	s20 =	simm.s32 $0x4;
	s13 =	simm.s32 $0x900;
	[dreg:$0x19] =	wrdreg s12  }
0x1f: {  	s21 =	simm.s32 $0x5;
	s14 =	simm.s32 $0xA00;
	[dreg:$0x1a] =	wrdreg s13  }
0x20: {  	s15 =	simm.s32 $0xB00;
	s22 =	simm.s32 $0x6;
	[dreg:$0x1b] =	wrdreg s14  }
0x21: {  	s16 =	simm.s32 $0xC00;
	s17 =	simm.s32 $0xD00;
	[dreg:$0x1c] =	wrdreg s15  }
.Ltmp0:
0x22: {  	s23 =	simm.s32 $0x7;
	[dreg:$0x1d] =	wrdreg s16;
	(pc) =	sbr.rel @!p1 .LBB2_1-.Ltmp0, $4  }
0x23: {  	s24 =	simm.s32 $0xE00;
	s4 =	simm.s32 $0xF000;
	[dreg:$0x1e] =	wrdreg s17  }
0x24: {  	s12 =	simm.s32 $0xB;
	[dreg:$0x1f] =	wrdreg s24;
	s15 =	simm.s32 $0xC  }
0x25: {  	s24 =	simm.s32 $0x8;
	s17 =	simm.s32 $0xD;
	s16 =	simm.s32 $0xE  }
0x26: {  	s14 =	simm.s32 $0xF;
	s13 =	simm.s32 $0x10;
	s0 =	rddreg [dreg:$0x2]  }
0x27: {  	[tilespmem:s2], [sflag:$0x11] =	stream.linear.gather [hbm4b:s0+s2], $0x1000, $0x38;
	[tilespmem:$0x11000] =	vst v63  }
0x28: {  	_ =	swait.ge [sflag:s31], $0x1000  }
0x29: {  	[sflag:s31] =	ssyncset.done $0x0  }
0x2a: {  	[sflag:s31] =	ssyncadd.s32 $0xFFFFF000  }
0x2b: {  	[tilespmem:s25], [sflag:$0x1] =	stream.indirect.gather [hbm4b:s3+s6], $0x20, s2, s6, $0xb8;
	[tilespmem:$0x11000] =	vst v63  }
0x2c: {  	_ = 	snop  }
0x2d: {  	[tilespmem:s19], [sflag:$0x2] =	stream.indirect.gather [hbm4b:s3+s6], $0x20, s6, s6, $0xb8;
	[tilespmem:$0x11000] =	vst v63  }
0x2e: {  	s0 =	rddreg [dreg:$0x13]  }
0x2f: {  	[tilespmem:s18], [sflag:$0x3] =	stream.indirect.gather [hbm4b:s3+s6], $0x20, s0, s6, $0xb8;
	[tilespmem:$0x11000] =	vst v63  }
0x30: {  	s1 =	rddreg [dreg:$0x14]  }
0x31: {  	[tilespmem:s11], [sflag:$0x4] =	stream.indirect.gather [hbm4b:s3+s6], $0x20, s1, s6, $0xb8;
	[tilespmem:$0x11000] =	vst v63  }
0x32: {  	s0 =	rddreg [dreg:$0x15]  }
0x33: {  	[tilespmem:s9], [sflag:$0x5] =	stream.indirect.gather [hbm4b:s3+s6], $0x20, s0, s6, $0xb8;
	[tilespmem:$0x11000] =	vst v63  }
0x34: {  	_ =	swait.ge [sflag:s29], $0x2000  }
0x35: {  	[sflag:s29] =	ssyncset.done $0x0  }
0x36: {  	s0 =	rddreg [dreg:$0x3];
	[sflag:s29] =	ssyncadd.s32 $0xFFFFE000  }
0x37: {  	[hbm4b:s0+s2] =	stream.linear.scatter [tilespmem:s25], [sflag:$0x9], $0x2000, $0x38;
	[tilespmem:$0x11000] =	vst v63  }
0x38: {  	s1 =	rddreg [dreg:$0x16]  }
0x39: {  	[tilespmem:s7], [sflag:$0x6] =	stream.indirect.gather [hbm4b:s3+s6], $0x20, s1, s6, $0xb8;
	[tilespmem:$0x11000] =	vst v63  }
0x3a: {  	_ =	swait.ge [sflag:s28], $0x2000  }
0x3b: {  	[sflag:s28] =	ssyncset.done $0x0  }
0x3c: {  	s0 =	rddreg [dreg:$0x4];
	[sflag:s28] =	ssyncadd.s32 $0xFFFFE000  }
0x3d: {  	[hbm4b:s0+s2] =	stream.linear.scatter [tilespmem:s19], [sflag:$0xA], $0x2000, $0x38;
	[tilespmem:$0x11000] =	vst v63  }
0x3e: {  	s1 =	rddreg [dreg:$0x17]  }
0x3f: {  	[tilespmem:s8], [sflag:$0x7] =	stream.indirect.gather [hbm4b:s3+s6], $0x20, s1, s6, $0xb8;
	[tilespmem:$0x11000] =	vst v63  }
0x40: {  	_ =	swait.ge [sflag:s26], $0x2000  }
0x41: {  	[sflag:s26] =	ssyncset.done $0x0  }
0x42: {  	s0 =	rddreg [dreg:$0x5];
	[sflag:s26] =	ssyncadd.s32 $0xFFFFE000  }
0x43: {  	[hbm4b:s0+s2] =	stream.linear.scatter [tilespmem:s18], [sflag:$0xB], $0x2000, $0x38;
	[tilespmem:$0x11000] =	vst v63  }
0x44: {  	s1 =	rddreg [dreg:$0x18]  }
0x45: {  	[tilespmem:s4], [sflag:$0x8] =	stream.indirect.gather [hbm4b:s3+s6], $0x20, s1, s6, $0xb8;
	[tilespmem:$0x11000] =	vst v63  }
0x46: {  	_ =	swait.ge [sflag:s20], $0x2000  }
0x47: {  	[sflag:s20] =	ssyncset.done $0x0  }
0x48: {  	s1 =	rddreg [dreg:$0x6];
	[sflag:s20] =	ssyncadd.s32 $0xFFFFE000  }
0x49: {  	[hbm4b:s1+s2] =	stream.linear.scatter [tilespmem:s11], [sflag:$0xC], $0x2000, $0x38;
	[tilespmem:$0x11000] =	vst v63  }
0x4a: {  	_ =	swait.ge [sflag:s5], $0x2000  }
0x4b: {  	[sflag:s5] =	ssyncset.done $0x0  }
0x4c: {  	s1 =	rddreg [dreg:$0x19];
	[sflag:s5] =	ssyncadd.s32 $0xFFFFE000  }
0x4d: {  	[tilespmem:s25], [sflag:$0x1] =	stream.indirect.gather [hbm4b:s3+s6], $0x20, s1, s6, $0xb8;
	[tilespmem:$0x11000] =	vst v63  }
0x4e: {  	_ =	swait.ge [sflag:s21], $0x2000  }
0x4f: {  	[sflag:s21] =	ssyncset.done $0x0  }
0x50: {  	s1 =	rddreg [dreg:$0x7];
	[sflag:s21] =	ssyncadd.s32 $0xFFFFE000  }
0x51: {  	[hbm4b:s1+s2] =	stream.linear.scatter [tilespmem:s9], [sflag:$0xD], $0x2000, $0x38;
	[tilespmem:$0x11000] =	vst v63  }
0x52: {  	_ =	swait.ge [sflag:s10], $0x2000  }
0x53: {  	[sflag:s10] =	ssyncset.done $0x0  }
0x54: {  	s1 =	rddreg [dreg:$0x1a];
	[sflag:s10] =	ssyncadd.s32 $0xFFFFE000  }
0x55: {  	[tilespmem:s19], [sflag:$0x2] =	stream.indirect.gather [hbm4b:s3+s6], $0x20, s1, s6, $0xb8;
	[tilespmem:$0x11000] =	vst v63  }
0x56: {  	_ =	swait.ge [sflag:s22], $0x2000  }
0x57: {  	[sflag:s22] =	ssyncset.done $0x0  }
0x58: {  	s1 =	rddreg [dreg:$0x8];
	[sflag:s22] =	ssyncadd.s32 $0xFFFFE000  }
0x59: {  	[hbm4b:s1+s2] =	stream.linear.scatter [tilespmem:s7], [sflag:$0xE], $0x2000, $0x38;
	[tilespmem:$0x11000] =	vst v63  }
0x5a: {  	_ =	swait.ge [sflag:s12], $0x2000  }
0x5b: {  	[sflag:s12] =	ssyncset.done $0x0  }
0x5c: {  	s1 =	rddreg [dreg:$0x1b];
	[sflag:s12] =	ssyncadd.s32 $0xFFFFE000  }
0x5d: {  	[tilespmem:s18], [sflag:$0x3] =	stream.indirect.gather [hbm4b:s3+s6], $0x20, s1, s6, $0xb8;
	[tilespmem:$0x11000] =	vst v63  }
0x5e: {  	_ =	swait.ge [sflag:s23], $0x2000  }
0x5f: {  	[sflag:s23] =	ssyncset.done $0x0  }
0x60: {  	s1 =	rddreg [dreg:$0x9];
	[sflag:s23] =	ssyncadd.s32 $0xFFFFE000  }
0x61: {  	[hbm4b:s1+s2] =	stream.linear.scatter [tilespmem:s8], [sflag:$0xF], $0x2000, $0x38;
	[tilespmem:$0x11000] =	vst v63  }
0x62: {  	_ =	swait.ge [sflag:s15], $0x2000  }
0x63: {  	[sflag:s15] =	ssyncset.done $0x0  }
0x64: {  	s1 =	rddreg [dreg:$0x1c];
	[sflag:s15] =	ssyncadd.s32 $0xFFFFE000  }
0x65: {  	[tilespmem:s11], [sflag:$0x4] =	stream.indirect.gather [hbm4b:s3+s6], $0x20, s1, s6, $0xb8;
	[tilespmem:$0x11000] =	vst v63  }
0x66: {  	_ =	swait.ge [sflag:s24], $0x2000  }
0x67: {  	[sflag:s24] =	ssyncset.done $0x0  }
0x68: {  	s1 =	rddreg [dreg:$0xa];
	[sflag:s24] =	ssyncadd.s32 $0xFFFFE000  }
0x69: {  	[hbm4b:s1+s2] =	stream.linear.scatter [tilespmem:s4], [sflag:$0x10], $0x2000, $0x38;
	[tilespmem:$0x11000] =	vst v63  }
0x6a: {  	_ =	swait.ge [sflag:s17], $0x2000  }
0x6b: {  	[sflag:s17] =	ssyncset.done $0x0  }
0x6c: {  	s1 =	rddreg [dreg:$0x1d];
	[sflag:s17] =	ssyncadd.s32 $0xFFFFE000  }
0x6d: {  	[tilespmem:s9], [sflag:$0x5] =	stream.indirect.gather [hbm4b:s3+s6], $0x20, s1, s6, $0xb8;
	[tilespmem:$0x11000] =	vst v63  }
0x6e: {  	_ =	swait.ge [sflag:s29], $0x2000  }
0x6f: {  	[sflag:s29] =	ssyncset.done $0x0  }
0x70: {  	s1 =	rddreg [dreg:$0xb];
	[sflag:s29] =	ssyncadd.s32 $0xFFFFE000  }
0x71: {  	[hbm4b:s1+s2] =	stream.linear.scatter [tilespmem:s25], [sflag:$0x9], $0x2000, $0x38;
	[tilespmem:$0x11000] =	vst v63  }
0x72: {  	_ =	swait.ge [sflag:s16], $0x2000  }
0x73: {  	[sflag:s16] =	ssyncset.done $0x0  }
0x74: {  	s1 =	rddreg [dreg:$0x1e];
	[sflag:s16] =	ssyncadd.s32 $0xFFFFE000  }
0x75: {  	[tilespmem:s7], [sflag:$0x6] =	stream.indirect.gather [hbm4b:s3+s6], $0x20, s1, s6, $0xb8;
	[tilespmem:$0x11000] =	vst v63  }
0x76: {  	_ =	swait.ge [sflag:s28], $0x2000  }
0x77: {  	[sflag:s28] =	ssyncset.done $0x0  }
0x78: {  	s1 =	rddreg [dreg:$0xc];
	[sflag:s28] =	ssyncadd.s32 $0xFFFFE000  }
0x79: {  	[hbm4b:s1+s2] =	stream.linear.scatter [tilespmem:s19], [sflag:$0xA], $0x2000, $0x38;
	[tilespmem:$0x11000] =	vst v63  }
0x7a: {  	_ =	swait.ge [sflag:s14], $0x2000  }
0x7b: {  	[sflag:s14] =	ssyncset.done $0x0  }
0x7c: {  	s1 =	rddreg [dreg:$0x1f];
	[sflag:s14] =	ssyncadd.s32 $0xFFFFE000  }
0x7d: {  	[tilespmem:s8], [sflag:$0x7] =	stream.indirect.gather [hbm4b:s3+s6], $0x20, s1, s6, $0xb8;
	[tilespmem:$0x11000] =	vst v63  }
0x7e: {  	_ =	swait.ge [sflag:s26], $0x2000  }
0x7f: {  	[sflag:s26] =	ssyncset.done $0x0  }
0x80: {  	s1 =	rddreg [dreg:$0xd];
	[sflag:s26] =	ssyncadd.s32 $0xFFFFE000  }
0x81: {  	[hbm4b:s1+s2] =	stream.linear.scatter [tilespmem:s18], [sflag:$0xB], $0x2000, $0x38;
	[tilespmem:$0x11000] =	vst v63  }
0x82: {  	_ =	swait.ge [sflag:s13], $0x2000  }
0x83: {  	[sflag:s13] =	ssyncset.done $0x0  }
0x84: {  	s1 =	simm.s32 $0xF00;
	[sflag:s13] =	ssyncadd.s32 $0xFFFFE000  }
0x85: {  	[tilespmem:s4], [sflag:$0x8] =	stream.indirect.gather [hbm4b:s3+s6], $0x20, s1, s6, $0xb8;
	[tilespmem:$0x11000] =	vst v63  }
0x86: {  	_ =	swait.ge [sflag:s20], $0x2000  }
0x87: {  	[sflag:s20] =	ssyncset.done $0x0  }
0x88: {  	s1 =	rddreg [dreg:$0xe];
	[sflag:s20] =	ssyncadd.s32 $0xFFFFE000  }
0x89: {  	[hbm4b:s1+s2] =	stream.linear.scatter [tilespmem:s11], [sflag:$0xC], $0x2000, $0x38;
	[tilespmem:$0x11000] =	vst v63  }
0x8a: {  	_ =	swait.ge [sflag:s21], $0x2000  }
0x8b: {  	[sflag:s21] =	ssyncset.done $0x0  }
0x8c: {  	s1 =	rddreg [dreg:$0xf];
	[sflag:s21] =	ssyncadd.s32 $0xFFFFE000  }
0x8d: {  	[hbm4b:s1+s2] =	stream.linear.scatter [tilespmem:s9], [sflag:$0xD], $0x2000, $0x38;
	[tilespmem:$0x11000] =	vst v63  }
0x8e: {  	_ =	swait.ge [sflag:s22], $0x2000  }
0x8f: {  	[sflag:s22] =	ssyncset.done $0x0  }
0x90: {  	s1 =	rddreg [dreg:$0x10];
	[sflag:s22] =	ssyncadd.s32 $0xFFFFE000  }
0x91: {  	[hbm4b:s1+s2] =	stream.linear.scatter [tilespmem:s7], [sflag:$0xE], $0x2000, $0x38;
	[tilespmem:$0x11000] =	vst v63  }
0x92: {  	_ =	swait.ge [sflag:s23], $0x2000  }
0x93: {  	[sflag:s23] =	ssyncset.done $0x0  }
0x94: {  	s1 =	rddreg [dreg:$0x11];
	[sflag:s23] =	ssyncadd.s32 $0xFFFFE000  }
0x95: {  	[hbm4b:s1+s2] =	stream.linear.scatter [tilespmem:s8], [sflag:$0xF], $0x2000, $0x38;
	[tilespmem:$0x11000] =	vst v63  }
0x96: {  	_ =	swait.ge [sflag:s24], $0x2000  }
0x97: {  	[sflag:s24] =	ssyncset.done $0x0  }
0x98: {  	s1 =	rddreg [dreg:$0x12];
	[sflag:s24] =	ssyncadd.s32 $0xFFFFE000  }
0x99: {  	[hbm4b:s1+s2] =	stream.linear.scatter [tilespmem:s4], [sflag:$0x10], $0x2000, $0x38;
	[tilespmem:$0x11000] =	vst v63  }
0x9a: {  	_ =	swait.ge [sflag:s5], $0x2000  }
0x9b: {  	[sflag:s5] =	ssyncset.done $0x0  }
0x9c: {  	[sflag:s5] =	ssyncadd.s32 $0xFFFFE000  }
0x9d: {  	_ =	swait.ge [sflag:s10], $0x2000  }
0x9e: {  	[sflag:s10] =	ssyncset.done $0x0  }
0x9f: {  	[sflag:s10] =	ssyncadd.s32 $0xFFFFE000  }
0xa0: {  	_ =	swait.ge [sflag:s12], $0x2000  }
0xa1: {  	[sflag:s12] =	ssyncset.done $0x0  }
0xa2: {  	[sflag:s12] =	ssyncadd.s32 $0xFFFFE000  }
0xa3: {  	_ =	swait.ge [sflag:s15], $0x2000  }
0xa4: {  	[sflag:s15] =	ssyncset.done $0x0  }
0xa5: {  	[sflag:s15] =	ssyncadd.s32 $0xFFFFE000  }
0xa6: {  	_ =	swait.ge [sflag:s17], $0x2000  }
0xa7: {  	[sflag:s17] =	ssyncset.done $0x0  }
0xa8: {  	[sflag:s17] =	ssyncadd.s32 $0xFFFFE000  }
0xa9: {  	_ =	swait.ge [sflag:s16], $0x2000  }
0xaa: {  	[sflag:s16] =	ssyncset.done $0x0  }
0xab: {  	p1 =	sne.s32 s30, $0x1;
	[sflag:s16] =	ssyncadd.s32 $0xFFFFE000  }
.Ltmp1:
0xac: {  	_ =	swait.ge [sflag:s14], $0x2000;
	(pc) =	sbr.rel @!p1 .LBB2_3-.Ltmp1, $4  }
0xad: {  	[sflag:s14] =	ssyncset.done $0x0  }
0xae: {  	[sflag:s14] =	ssyncadd.s32 $0xFFFFE000  }
0xaf: {  	p0 =	por $0x1, $0x1;
	_ =	swait.ge [sflag:s13], $0x2000  }
0xb0: {  	s1 =	sadd.s32 $0xFFFFFFFF, s30;
	s0 =	rddreg [dreg:$0x2];
	[sflag:s13] =	ssyncset.done $0x0  }
.LBB2_4:
0xb1: {  	[sflag:s13] =	ssyncadd.s32 $0xFFFFE000  }
0xb2: {  	[tilespmem:s2], [sflag:$0x11] =	stream.linear.gather [hbm4b:s0+s2], $0x1000, $0x38;
	[tilespmem:$0x11000] =	vst v63  }
0xb3: {  	_ =	swait.ge [sflag:s31], $0x1000  }
0xb4: {  	[sflag:s31] =	ssyncset.done $0x0  }
0xb5: {  	[sflag:s31] =	ssyncadd.s32 $0xFFFFF000  }
0xb6: {  	[tilespmem:s25], [sflag:$0x1] =	stream.indirect.gather [hbm4b:s3+s6], $0x20, s2, s6, $0xb8;
	[tilespmem:$0x11000] =	vst v63  }
0xb7: {  	_ = 	snop  }
0xb8: {  	[tilespmem:s19], [sflag:$0x2] =	stream.indirect.gather [hbm4b:s3+s6], $0x20, s6, s6, $0xb8;
	[tilespmem:$0x11000] =	vst v63  }
0xb9: {  	s0 =	rddreg [dreg:$0x13]  }
0xba: {  	[tilespmem:s18], [sflag:$0x3] =	stream.indirect.gather [hbm4b:s3+s6], $0x20, s0, s6, $0xb8;
	[tilespmem:$0x11000] =	vst v63  }
0xbb: {  	s30 =	rddreg [dreg:$0x14]  }
0xbc: {  	[tilespmem:s11], [sflag:$0x4] =	stream.indirect.gather [hbm4b:s3+s6], $0x20, s30, s6, $0xb8;
	[tilespmem:$0x11000] =	vst v63  }
0xbd: {  	s0 =	rddreg [dreg:$0x15]  }
0xbe: {  	[tilespmem:s9], [sflag:$0x5] =	stream.indirect.gather [hbm4b:s3+s6], $0x20, s0, s6, $0xb8;
	[tilespmem:$0x11000] =	vst v63  }
0xbf: {  	_ =	swait.ge [sflag:s29], $0x2000  }
0xc0: {  	[sflag:s29] =	ssyncset.done $0x0  }
0xc1: {  	s0 =	rddreg [dreg:$0x3];
	[sflag:s29] =	ssyncadd.s32 $0xFFFFE000  }
0xc2: {  	[hbm4b:s0+s2] =	stream.linear.scatter [tilespmem:s25], [sflag:$0x9], $0x2000, $0x38;
	[tilespmem:$0x11000] =	vst v63  }
0xc3: {  	s30 =	rddreg [dreg:$0x16]  }
0xc4: {  	[tilespmem:s7], [sflag:$0x6] =	stream.indirect.gather [hbm4b:s3+s6], $0x20, s30, s6, $0xb8;
	[tilespmem:$0x11000] =	vst v63  }
0xc5: {  	_ =	swait.ge [sflag:s28], $0x2000  }
0xc6: {  	[sflag:s28] =	ssyncset.done $0x0  }
0xc7: {  	s0 =	rddreg [dreg:$0x4];
	[sflag:s28] =	ssyncadd.s32 $0xFFFFE000  }
0xc8: {  	[hbm4b:s0+s2] =	stream.linear.scatter [tilespmem:s19], [sflag:$0xA], $0x2000, $0x38;
	[tilespmem:$0x11000] =	vst v63  }
0xc9: {  	s30 =	rddreg [dreg:$0x17]  }
0xca: {  	[tilespmem:s8], [sflag:$0x7] =	stream.indirect.gather [hbm4b:s3+s6], $0x20, s30, s6, $0xb8;
	[tilespmem:$0x11000] =	vst v63  }
0xcb: {  	_ =	swait.ge [sflag:s26], $0x2000  }
0xcc: {  	[sflag:s26] =	ssyncset.done $0x0  }
0xcd: {  	s0 =	rddreg [dreg:$0x5];
	[sflag:s26] =	ssyncadd.s32 $0xFFFFE000  }
0xce: {  	[hbm4b:s0+s2] =	stream.linear.scatter [tilespmem:s18], [sflag:$0xB], $0x2000, $0x38;
	[tilespmem:$0x11000] =	vst v63  }
0xcf: {  	s30 =	rddreg [dreg:$0x18]  }
0xd0: {  	[tilespmem:s4], [sflag:$0x8] =	stream.indirect.gather [hbm4b:s3+s6], $0x20, s30, s6, $0xb8;
	[tilespmem:$0x11000] =	vst v63  }
0xd1: {  	_ =	swait.ge [sflag:s20], $0x2000  }
0xd2: {  	[sflag:s20] =	ssyncset.done $0x0  }
0xd3: {  	s30 =	rddreg [dreg:$0x6];
	[sflag:s20] =	ssyncadd.s32 $0xFFFFE000  }
0xd4: {  	[hbm4b:s30+s2] =	stream.linear.scatter [tilespmem:s11], [sflag:$0xC], $0x2000, $0x38;
	[tilespmem:$0x11000] =	vst v63  }
0xd5: {  	_ =	swait.ge [sflag:s5], $0x2000  }
0xd6: {  	[sflag:s5] =	ssyncset.done $0x0  }
0xd7: {  	s30 =	rddreg [dreg:$0x19];
	[sflag:s5] =	ssyncadd.s32 $0xFFFFE000  }
0xd8: {  	[tilespmem:s25], [sflag:$0x1] =	stream.indirect.gather [hbm4b:s3+s6], $0x20, s30, s6, $0xb8;
	[tilespmem:$0x11000] =	vst v63  }
0xd9: {  	_ =	swait.ge [sflag:s21], $0x2000  }
0xda: {  	[sflag:s21] =	ssyncset.done $0x0  }
0xdb: {  	s30 =	rddreg [dreg:$0x7];
	[sflag:s21] =	ssyncadd.s32 $0xFFFFE000  }
0xdc: {  	[hbm4b:s30+s2] =	stream.linear.scatter [tilespmem:s9], [sflag:$0xD], $0x2000, $0x38;
	[tilespmem:$0x11000] =	vst v63  }
0xdd: {  	_ =	swait.ge [sflag:s10], $0x2000  }
0xde: {  	[sflag:s10] =	ssyncset.done $0x0  }
0xdf: {  	s30 =	rddreg [dreg:$0x1a];
	[sflag:s10] =	ssyncadd.s32 $0xFFFFE000  }
0xe0: {  	[tilespmem:s19], [sflag:$0x2] =	stream.indirect.gather [hbm4b:s3+s6], $0x20, s30, s6, $0xb8;
	[tilespmem:$0x11000] =	vst v63  }
0xe1: {  	_ =	swait.ge [sflag:s22], $0x2000  }
0xe2: {  	[sflag:s22] =	ssyncset.done $0x0  }
0xe3: {  	s30 =	rddreg [dreg:$0x8];
	[sflag:s22] =	ssyncadd.s32 $0xFFFFE000  }
0xe4: {  	[hbm4b:s30+s2] =	stream.linear.scatter [tilespmem:s7], [sflag:$0xE], $0x2000, $0x38;
	[tilespmem:$0x11000] =	vst v63  }
0xe5: {  	_ =	swait.ge [sflag:s12], $0x2000  }
0xe6: {  	[sflag:s12] =	ssyncset.done $0x0  }
0xe7: {  	s30 =	rddreg [dreg:$0x1b];
	[sflag:s12] =	ssyncadd.s32 $0xFFFFE000  }
0xe8: {  	[tilespmem:s18], [sflag:$0x3] =	stream.indirect.gather [hbm4b:s3+s6], $0x20, s30, s6, $0xb8;
	[tilespmem:$0x11000] =	vst v63  }
0xe9: {  	_ =	swait.ge [sflag:s23], $0x2000  }
0xea: {  	[sflag:s23] =	ssyncset.done $0x0  }
0xeb: {  	s30 =	rddreg [dreg:$0x9];
	[sflag:s23] =	ssyncadd.s32 $0xFFFFE000  }
0xec: {  	[hbm4b:s30+s2] =	stream.linear.scatter [tilespmem:s8], [sflag:$0xF], $0x2000, $0x38;
	[tilespmem:$0x11000] =	vst v63  }
0xed: {  	_ =	swait.ge [sflag:s15], $0x2000  }
0xee: {  	[sflag:s15] =	ssyncset.done $0x0  }
0xef: {  	s30 =	rddreg [dreg:$0x1c];
	[sflag:s15] =	ssyncadd.s32 $0xFFFFE000  }
0xf0: {  	[tilespmem:s11], [sflag:$0x4] =	stream.indirect.gather [hbm4b:s3+s6], $0x20, s30, s6, $0xb8;
	[tilespmem:$0x11000] =	vst v63  }
0xf1: {  	_ =	swait.ge [sflag:s24], $0x2000  }
0xf2: {  	[sflag:s24] =	ssyncset.done $0x0  }
0xf3: {  	s30 =	rddreg [dreg:$0xa];
	[sflag:s24] =	ssyncadd.s32 $0xFFFFE000  }
0xf4: {  	[hbm4b:s30+s2] =	stream.linear.scatter [tilespmem:s4], [sflag:$0x10], $0x2000, $0x38;
	[tilespmem:$0x11000] =	vst v63  }
0xf5: {  	_ =	swait.ge [sflag:s17], $0x2000  }
0xf6: {  	[sflag:s17] =	ssyncset.done $0x0  }
0xf7: {  	s30 =	rddreg [dreg:$0x1d];
	[sflag:s17] =	ssyncadd.s32 $0xFFFFE000  }
0xf8: {  	[tilespmem:s9], [sflag:$0x5] =	stream.indirect.gather [hbm4b:s3+s6], $0x20, s30, s6, $0xb8;
	[tilespmem:$0x11000] =	vst v63  }
0xf9: {  	_ =	swait.ge [sflag:s29], $0x2000  }
0xfa: {  	[sflag:s29] =	ssyncset.done $0x0  }
0xfb: {  	s30 =	rddreg [dreg:$0xb];
	[sflag:s29] =	ssyncadd.s32 $0xFFFFE000  }
0xfc: {  	[hbm4b:s30+s2] =	stream.linear.scatter [tilespmem:s25], [sflag:$0x9], $0x2000, $0x38;
	[tilespmem:$0x11000] =	vst v63  }
0xfd: {  	_ =	swait.ge [sflag:s16], $0x2000  }
0xfe: {  	[sflag:s16] =	ssyncset.done $0x0  }
0xff: {  	s30 =	rddreg [dreg:$0x1e];
	[sflag:s16] =	ssyncadd.s32 $0xFFFFE000  }
0x100: {  	[tilespmem:s7], [sflag:$0x6] =	stream.indirect.gather [hbm4b:s3+s6], $0x20, s30, s6, $0xb8;
	[tilespmem:$0x11000] =	vst v63  }
0x101: {  	_ =	swait.ge [sflag:s28], $0x2000  }
0x102: {  	[sflag:s28] =	ssyncset.done $0x0  }
0x103: {  	s30 =	rddreg [dreg:$0xc];
	[sflag:s28] =	ssyncadd.s32 $0xFFFFE000  }
0x104: {  	[hbm4b:s30+s2] =	stream.linear.scatter [tilespmem:s19], [sflag:$0xA], $0x2000, $0x38;
	[tilespmem:$0x11000] =	vst v63  }
0x105: {  	_ =	swait.ge [sflag:s14], $0x2000  }
0x106: {  	[sflag:s14] =	ssyncset.done $0x0  }
0x107: {  	s30 =	rddreg [dreg:$0x1f];
	[sflag:s14] =	ssyncadd.s32 $0xFFFFE000  }
0x108: {  	[tilespmem:s8], [sflag:$0x7] =	stream.indirect.gather [hbm4b:s3+s6], $0x20, s30, s6, $0xb8;
	[tilespmem:$0x11000] =	vst v63  }
0x109: {  	_ =	swait.ge [sflag:s26], $0x2000  }
0x10a: {  	[sflag:s26] =	ssyncset.done $0x0  }
0x10b: {  	s30 =	rddreg [dreg:$0xd];
	[sflag:s26] =	ssyncadd.s32 $0xFFFFE000  }
0x10c: {  	[hbm4b:s30+s2] =	stream.linear.scatter [tilespmem:s18], [sflag:$0xB], $0x2000, $0x38;
	[tilespmem:$0x11000] =	vst v63  }
0x10d: {  	_ =	swait.ge [sflag:s13], $0x2000  }
0x10e: {  	[sflag:s13] =	ssyncset.done $0x0  }
0x10f: {  	s30 =	simm.s32 $0xF00;
	[sflag:s13] =	ssyncadd.s32 $0xFFFFE000  }
0x110: {  	[tilespmem:s4], [sflag:$0x8] =	stream.indirect.gather [hbm4b:s3+s6], $0x20, s30, s6, $0xb8;
	[tilespmem:$0x11000] =	vst v63  }
0x111: {  	_ =	swait.ge [sflag:s20], $0x2000  }
0x112: {  	[sflag:s20] =	ssyncset.done $0x0  }
0x113: {  	s30 =	rddreg [dreg:$0xe];
	[sflag:s20] =	ssyncadd.s32 $0xFFFFE000  }
0x114: {  	[hbm4b:s30+s2] =	stream.linear.scatter [tilespmem:s11], [sflag:$0xC], $0x2000, $0x38;
	[tilespmem:$0x11000] =	vst v63  }
0x115: {  	_ =	swait.ge [sflag:s21], $0x2000  }
0x116: {  	[sflag:s21] =	ssyncset.done $0x0  }
0x117: {  	s30 =	rddreg [dreg:$0xf];
	[sflag:s21] =	ssyncadd.s32 $0xFFFFE000  }
0x118: {  	[hbm4b:s30+s2] =	stream.linear.scatter [tilespmem:s9], [sflag:$0xD], $0x2000, $0x38;
	[tilespmem:$0x11000] =	vst v63  }
0x119: {  	_ =	swait.ge [sflag:s22], $0x2000  }
0x11a: {  	[sflag:s22] =	ssyncset.done $0x0  }
0x11b: {  	s30 =	rddreg [dreg:$0x10];
	[sflag:s22] =	ssyncadd.s32 $0xFFFFE000  }
0x11c: {  	[hbm4b:s30+s2] =	stream.linear.scatter [tilespmem:s7], [sflag:$0xE], $0x2000, $0x38;
	[tilespmem:$0x11000] =	vst v63  }
0x11d: {  	_ =	swait.ge [sflag:s23], $0x2000  }
0x11e: {  	[sflag:s23] =	ssyncset.done $0x0  }
0x11f: {  	s30 =	rddreg [dreg:$0x11];
	[sflag:s23] =	ssyncadd.s32 $0xFFFFE000  }
0x120: {  	[hbm4b:s30+s2] =	stream.linear.scatter [tilespmem:s8], [sflag:$0xF], $0x2000, $0x38;
	[tilespmem:$0x11000] =	vst v63  }
0x121: {  	_ =	swait.ge [sflag:s24], $0x2000  }
0x122: {  	[sflag:s24] =	ssyncset.done $0x0  }
0x123: {  	s30 =	rddreg [dreg:$0x12];
	[sflag:s24] =	ssyncadd.s32 $0xFFFFE000  }
0x124: {  	[hbm4b:s30+s2] =	stream.linear.scatter [tilespmem:s4], [sflag:$0x10], $0x2000, $0x38;
	[tilespmem:$0x11000] =	vst v63  }
0x125: {  	_ =	swait.ge [sflag:s5], $0x2000  }
0x126: {  	[sflag:s5] =	ssyncset.done $0x0  }
0x127: {  	[sflag:s5] =	ssyncadd.s32 $0xFFFFE000  }
0x128: {  	_ =	swait.ge [sflag:s10], $0x2000  }
0x129: {  	[sflag:s10] =	ssyncset.done $0x0  }
0x12a: {  	[sflag:s10] =	ssyncadd.s32 $0xFFFFE000  }
0x12b: {  	_ =	swait.ge [sflag:s12], $0x2000  }
0x12c: {  	[sflag:s12] =	ssyncset.done $0x0  }
0x12d: {  	[sflag:s12] =	ssyncadd.s32 $0xFFFFE000  }
0x12e: {  	_ =	swait.ge [sflag:s15], $0x2000  }
0x12f: {  	[sflag:s15] =	ssyncset.done $0x0  }
0x130: {  	[sflag:s15] =	ssyncadd.s32 $0xFFFFE000  }
0x131: {  	_ =	swait.ge [sflag:s17], $0x2000  }
0x132: {  	[sflag:s17] =	ssyncset.done $0x0  }
0x133: {  	[sflag:s17] =	ssyncadd.s32 $0xFFFFE000  }
0x134: {  	_ =	swait.ge [sflag:s16], $0x2000  }
0x135: {  	[sflag:s16] =	ssyncset.done $0x0  }
0x136: {  	p1 =	sne.s32 s1, $0x1;
	[sflag:s16] =	ssyncadd.s32 $0xFFFFE000  }
.Ltmp2:
0x137: {  	_ =	swait.ge [sflag:s14], $0x2000;
	(pc) =	sbr.rel @p1 .LBB2_4-.Ltmp2, $4  }
0x138: {  	[sflag:s14] =	ssyncset.done $0x0  }
0x139: {  	[sflag:s14] =	ssyncadd.s32 $0xFFFFE000  }
0x13a: {  	_ =	swait.ge [sflag:s13], $0x2000  }
0x13b: {  	s1 =	sadd.s32 $0xFFFFFFFF, s1;
	s0 =	rddreg [dreg:$0x2];
	[sflag:s13] =	ssyncset.done $0x0  }
0x13c: {  	s30 =	simm.s32 $0xF00  }
.LBB2_6:
0x13d: {  	[sflag:s13] =	ssyncadd.s32 @p0 $0xFFFFE000  }
0x13e: {  	[tilespmem:s2], [sflag:$0x11] =	stream.linear.gather [hbm4b:s0+s2], $0x1000, $0x38;
	[tilespmem:$0x11000] =	vst v63  }
0x13f: {  	_ =	swait.ge [sflag:s31], $0x1000  }
0x140: {  	[sflag:s31] =	ssyncset.done $0x0  }
0x141: {  	[sflag:s31] =	ssyncadd.s32 $0xFFFFF000  }
0x142: {  	[tilespmem:s25], [sflag:$0x1] =	stream.indirect.gather [hbm4b:s3+s6], $0x20, s2, s6, $0xb8;
	[tilespmem:$0x11000] =	vst v63  }
0x143: {  	_ = 	snop  }
0x144: {  	[tilespmem:s19], [sflag:$0x2] =	stream.indirect.gather [hbm4b:s3+s6], $0x20, s6, s6, $0xb8;
	[tilespmem:$0x11000] =	vst v63  }
0x145: {  	s31 =	rddreg [dreg:$0x13]  }
0x146: {  	[tilespmem:s18], [sflag:$0x3] =	stream.indirect.gather [hbm4b:s3+s6], $0x20, s31, s6, $0xb8;
	[tilespmem:$0x11000] =	vst v63  }
0x147: {  	s1 =	rddreg [dreg:$0x14]  }
0x148: {  	[tilespmem:s11], [sflag:$0x4] =	stream.indirect.gather [hbm4b:s3+s6], $0x20, s1, s6, $0xb8;
	[tilespmem:$0x11000] =	vst v63  }
0x149: {  	s31 =	rddreg [dreg:$0x15]  }
0x14a: {  	[tilespmem:s9], [sflag:$0x5] =	stream.indirect.gather [hbm4b:s3+s6], $0x20, s31, s6, $0xb8;
	[tilespmem:$0x11000] =	vst v63  }
0x14b: {  	_ =	swait.ge [sflag:s29], $0x2000  }
0x14c: {  	[sflag:s29] =	ssyncset.done $0x0  }
0x14d: {  	s1 =	rddreg [dreg:$0x3];
	[sflag:s29] =	ssyncadd.s32 $0xFFFFE000  }
0x14e: {  	[hbm4b:s1+s2] =	stream.linear.scatter [tilespmem:s25], [sflag:$0x9], $0x2000, $0x38;
	[tilespmem:$0x11000] =	vst v63  }
0x14f: {  	s31 =	rddreg [dreg:$0x16]  }
0x150: {  	[tilespmem:s7], [sflag:$0x6] =	stream.indirect.gather [hbm4b:s3+s6], $0x20, s31, s6, $0xb8;
	[tilespmem:$0x11000] =	vst v63  }
0x151: {  	_ =	swait.ge [sflag:s28], $0x2000  }
0x152: {  	[sflag:s28] =	ssyncset.done $0x0  }
0x153: {  	s1 =	rddreg [dreg:$0x4];
	[sflag:s28] =	ssyncadd.s32 $0xFFFFE000  }
0x154: {  	[hbm4b:s1+s2] =	stream.linear.scatter [tilespmem:s19], [sflag:$0xA], $0x2000, $0x38;
	[tilespmem:$0x11000] =	vst v63  }
0x155: {  	s31 =	rddreg [dreg:$0x17]  }
0x156: {  	[tilespmem:s8], [sflag:$0x7] =	stream.indirect.gather [hbm4b:s3+s6], $0x20, s31, s6, $0xb8;
	[tilespmem:$0x11000] =	vst v63  }
0x157: {  	_ =	swait.ge [sflag:s26], $0x2000  }
0x158: {  	[sflag:s26] =	ssyncset.done $0x0  }
0x159: {  	s1 =	rddreg [dreg:$0x5];
	[sflag:s26] =	ssyncadd.s32 $0xFFFFE000  }
0x15a: {  	[hbm4b:s1+s2] =	stream.linear.scatter [tilespmem:s18], [sflag:$0xB], $0x2000, $0x38;
	[tilespmem:$0x11000] =	vst v63  }
0x15b: {  	s31 =	rddreg [dreg:$0x18]  }
0x15c: {  	[tilespmem:s4], [sflag:$0x8] =	stream.indirect.gather [hbm4b:s3+s6], $0x20, s31, s6, $0xb8;
	[tilespmem:$0x11000] =	vst v63  }
0x15d: {  	_ =	swait.ge [sflag:s20], $0x2000  }
0x15e: {  	[sflag:s20] =	ssyncset.done $0x0  }
0x15f: {  	s1 =	rddreg [dreg:$0x6];
	[sflag:s20] =	ssyncadd.s32 $0xFFFFE000  }
0x160: {  	[hbm4b:s1+s2] =	stream.linear.scatter [tilespmem:s11], [sflag:$0xC], $0x2000, $0x38;
	[tilespmem:$0x11000] =	vst v63  }
0x161: {  	_ =	swait.ge [sflag:s5], $0x2000  }
0x162: {  	[sflag:s5] =	ssyncset.done $0x0  }
0x163: {  	s31 =	rddreg [dreg:$0x19];
	[sflag:s5] =	ssyncadd.s32 $0xFFFFE000  }
0x164: {  	[tilespmem:s25], [sflag:$0x1] =	stream.indirect.gather [hbm4b:s3+s6], $0x20, s31, s6, $0xb8;
	[tilespmem:$0x11000] =	vst v63  }
0x165: {  	_ =	swait.ge [sflag:s21], $0x2000  }
0x166: {  	[sflag:s21] =	ssyncset.done $0x0  }
0x167: {  	s1 =	rddreg [dreg:$0x7];
	[sflag:s21] =	ssyncadd.s32 $0xFFFFE000  }
0x168: {  	[hbm4b:s1+s2] =	stream.linear.scatter [tilespmem:s9], [sflag:$0xD], $0x2000, $0x38;
	[tilespmem:$0x11000] =	vst v63  }
0x169: {  	_ =	swait.ge [sflag:s10], $0x2000  }
0x16a: {  	[sflag:s10] =	ssyncset.done $0x0  }
0x16b: {  	s31 =	rddreg [dreg:$0x1a];
	[sflag:s10] =	ssyncadd.s32 $0xFFFFE000  }
0x16c: {  	[tilespmem:s19], [sflag:$0x2] =	stream.indirect.gather [hbm4b:s3+s6], $0x20, s31, s6, $0xb8;
	[tilespmem:$0x11000] =	vst v63  }
0x16d: {  	_ =	swait.ge [sflag:s22], $0x2000  }
0x16e: {  	[sflag:s22] =	ssyncset.done $0x0  }
0x16f: {  	s1 =	rddreg [dreg:$0x8];
	[sflag:s22] =	ssyncadd.s32 $0xFFFFE000  }
0x170: {  	[hbm4b:s1+s2] =	stream.linear.scatter [tilespmem:s7], [sflag:$0xE], $0x2000, $0x38;
	[tilespmem:$0x11000] =	vst v63  }
0x171: {  	_ =	swait.ge [sflag:s12], $0x2000  }
0x172: {  	[sflag:s12] =	ssyncset.done $0x0  }
0x173: {  	s31 =	rddreg [dreg:$0x1b];
	[sflag:s12] =	ssyncadd.s32 $0xFFFFE000  }
0x174: {  	[tilespmem:s18], [sflag:$0x3] =	stream.indirect.gather [hbm4b:s3+s6], $0x20, s31, s6, $0xb8;
	[tilespmem:$0x11000] =	vst v63  }
0x175: {  	_ =	swait.ge [sflag:s23], $0x2000  }
0x176: {  	[sflag:s23] =	ssyncset.done $0x0  }
0x177: {  	s1 =	rddreg [dreg:$0x9];
	[sflag:s23] =	ssyncadd.s32 $0xFFFFE000  }
0x178: {  	[hbm4b:s1+s2] =	stream.linear.scatter [tilespmem:s8], [sflag:$0xF], $0x2000, $0x38;
	[tilespmem:$0x11000] =	vst v63  }
0x179: {  	_ =	swait.ge [sflag:s15], $0x2000  }
0x17a: {  	[sflag:s15] =	ssyncset.done $0x0  }
0x17b: {  	s31 =	rddreg [dreg:$0x1c];
	[sflag:s15] =	ssyncadd.s32 $0xFFFFE000  }
0x17c: {  	[tilespmem:s11], [sflag:$0x4] =	stream.indirect.gather [hbm4b:s3+s6], $0x20, s31, s6, $0xb8;
	[tilespmem:$0x11000] =	vst v63  }
0x17d: {  	_ =	swait.ge [sflag:s24], $0x2000  }
0x17e: {  	[sflag:s24] =	ssyncset.done $0x0  }
0x17f: {  	s1 =	rddreg [dreg:$0xa];
	[sflag:s24] =	ssyncadd.s32 $0xFFFFE000  }
0x180: {  	[hbm4b:s1+s2] =	stream.linear.scatter [tilespmem:s4], [sflag:$0x10], $0x2000, $0x38;
	[tilespmem:$0x11000] =	vst v63  }
0x181: {  	_ =	swait.ge [sflag:s17], $0x2000  }
0x182: {  	[sflag:s17] =	ssyncset.done $0x0  }
0x183: {  	s31 =	rddreg [dreg:$0x1d];
	[sflag:s17] =	ssyncadd.s32 $0xFFFFE000  }
0x184: {  	[tilespmem:s9], [sflag:$0x5] =	stream.indirect.gather [hbm4b:s3+s6], $0x20, s31, s6, $0xb8;
	[tilespmem:$0x11000] =	vst v63  }
0x185: {  	_ =	swait.ge [sflag:s29], $0x2000  }
0x186: {  	[sflag:s29] =	ssyncset.done $0x0  }
0x187: {  	s1 =	rddreg [dreg:$0xb];
	[sflag:s29] =	ssyncadd.s32 $0xFFFFE000  }
0x188: {  	[hbm4b:s1+s2] =	stream.linear.scatter [tilespmem:s25], [sflag:$0x9], $0x2000, $0x38;
	[tilespmem:$0x11000] =	vst v63  }
0x189: {  	_ =	swait.ge [sflag:s16], $0x2000  }
0x18a: {  	[sflag:s16] =	ssyncset.done $0x0  }
0x18b: {  	s29 =	rddreg [dreg:$0x1e];
	[sflag:s16] =	ssyncadd.s32 $0xFFFFE000  }
0x18c: {  	[tilespmem:s7], [sflag:$0x6] =	stream.indirect.gather [hbm4b:s3+s6], $0x20, s29, s6, $0xb8;
	[tilespmem:$0x11000] =	vst v63  }
0x18d: {  	_ =	swait.ge [sflag:s28], $0x2000  }
0x18e: {  	[sflag:s28] =	ssyncset.done $0x0  }
0x18f: {  	s31 =	rddreg [dreg:$0xc];
	[sflag:s28] =	ssyncadd.s32 $0xFFFFE000  }
0x190: {  	[hbm4b:s31+s2] =	stream.linear.scatter [tilespmem:s19], [sflag:$0xA], $0x2000, $0x38;
	[tilespmem:$0x11000] =	vst v63  }
0x191: {  	_ =	swait.ge [sflag:s14], $0x2000  }
0x192: {  	[sflag:s14] =	ssyncset.done $0x0  }
0x193: {  	s1 =	rddreg [dreg:$0x1f];
	[sflag:s14] =	ssyncadd.s32 $0xFFFFE000  }
0x194: {  	[tilespmem:s8], [sflag:$0x7] =	stream.indirect.gather [hbm4b:s3+s6], $0x20, s1, s6, $0xb8;
	[tilespmem:$0x11000] =	vst v63  }
0x195: {  	_ =	swait.ge [sflag:s26], $0x2000  }
0x196: {  	[sflag:s26] =	ssyncset.done $0x0  }
0x197: {  	s19 =	rddreg [dreg:$0xd];
	[sflag:s26] =	ssyncadd.s32 $0xFFFFE000  }
0x198: {  	[hbm4b:s19+s2] =	stream.linear.scatter [tilespmem:s18], [sflag:$0xB], $0x2000, $0x38;
	[tilespmem:$0x11000] =	vst v63  }
0x199: {  	_ =	swait.ge [sflag:s13], $0x2000  }
0x19a: {  	[sflag:s13] =	ssyncset.done $0x0  }
0x19b: {  	[sflag:s13] =	ssyncadd.s32 $0xFFFFE000  }
0x19c: {  	[tilespmem:s4], [sflag:$0x8] =	stream.indirect.gather [hbm4b:s3+s6], $0x20, s30, s6, $0xb8;
	[tilespmem:$0x11000] =	vst v63  }
0x19d: {  	_ =	swait.ge [sflag:s20], $0x2000  }
0x19e: {  	[sflag:s20] =	ssyncset.done $0x0  }
0x19f: {  	s25 =	rddreg [dreg:$0xe];
	[sflag:s20] =	ssyncadd.s32 $0xFFFFE000  }
0x1a0: {  	[hbm4b:s25+s2] =	stream.linear.scatter [tilespmem:s11], [sflag:$0xC], $0x2000, $0x38;
	[tilespmem:$0x11000] =	vst v63  }
0x1a1: {  	_ =	swait.ge [sflag:s21], $0x2000  }
0x1a2: {  	[sflag:s21] =	ssyncset.done $0x0  }
0x1a3: {  	s26 =	rddreg [dreg:$0xf];
	[sflag:s21] =	ssyncadd.s32 $0xFFFFE000  }
0x1a4: {  	[hbm4b:s26+s2] =	stream.linear.scatter [tilespmem:s9], [sflag:$0xD], $0x2000, $0x38;
	[tilespmem:$0x11000] =	vst v63  }
0x1a5: {  	_ =	swait.ge [sflag:s22], $0x2000  }
0x1a6: {  	[sflag:s22] =	ssyncset.done $0x0  }
0x1a7: {  	s28 =	rddreg [dreg:$0x10];
	[sflag:s22] =	ssyncadd.s32 $0xFFFFE000  }
0x1a8: {  	[hbm4b:s28+s2] =	stream.linear.scatter [tilespmem:s7], [sflag:$0xE], $0x2000, $0x38;
	[tilespmem:$0x11000] =	vst v63  }
0x1a9: {  	_ =	swait.ge [sflag:s23], $0x2000  }
0x1aa: {  	[sflag:s23] =	ssyncset.done $0x0  }
0x1ab: {  	s29 =	rddreg [dreg:$0x11];
	[sflag:s23] =	ssyncadd.s32 $0xFFFFE000  }
0x1ac: {  	[hbm4b:s29+s2] =	stream.linear.scatter [tilespmem:s8], [sflag:$0xF], $0x2000, $0x38;
	[tilespmem:$0x11000] =	vst v63  }
0x1ad: {  	_ =	swait.ge [sflag:s24], $0x2000  }
0x1ae: {  	[sflag:s24] =	ssyncset.done $0x0  }
0x1af: {  	s30 =	rddreg [dreg:$0x12];
	[sflag:s24] =	ssyncadd.s32 $0xFFFFE000  }
0x1b0: {  	[hbm4b:s30+s2] =	stream.linear.scatter [tilespmem:s4], [sflag:$0x10], $0x2000, $0x38;
	[tilespmem:$0x11000] =	vst v63  }
0x1b1: {  	_ =	swait.ge [sflag:s5], $0x2000  }
0x1b2: {  	[sflag:s5] =	ssyncset.done $0x0  }
0x1b3: {  	[sflag:s5] =	ssyncadd.s32 $0xFFFFE000  }
0x1b4: {  	_ =	swait.ge [sflag:s10], $0x2000  }
0x1b5: {  	[sflag:s10] =	ssyncset.done $0x0  }
0x1b6: {  	[sflag:s10] =	ssyncadd.s32 $0xFFFFE000  }
0x1b7: {  	_ =	swait.ge [sflag:s12], $0x2000  }
0x1b8: {  	[sflag:s12] =	ssyncset.done $0x0  }
0x1b9: {  	[sflag:s12] =	ssyncadd.s32 $0xFFFFE000  }
0x1ba: {  	_ =	swait.ge [sflag:s15], $0x2000  }
0x1bb: {  	[sflag:s15] =	ssyncset.done $0x0  }
0x1bc: {  	[sflag:s15] =	ssyncadd.s32 $0xFFFFE000  }
0x1bd: {  	_ =	swait.ge [sflag:s17], $0x2000  }
0x1be: {  	[sflag:s17] =	ssyncset.done $0x0  }
0x1bf: {  	[sflag:s17] =	ssyncadd.s32 $0xFFFFE000  }
0x1c0: {  	_ =	swait.ge [sflag:s16], $0x2000  }
0x1c1: {  	[sflag:s16] =	ssyncset.done $0x0  }
0x1c2: {  	[sflag:s16] =	ssyncadd.s32 $0xFFFFE000  }
0x1c3: {  	_ =	swait.ge [sflag:s14], $0x2000  }
0x1c4: {  	[sflag:s14] =	ssyncset.done $0x0  }
0x1c5: {  	[sflag:s14] =	ssyncadd.s32 $0xFFFFE000  }
0x1c6: {  	_ =	swait.ge [sflag:s13], $0x2000  }
0x1c7: {  	[sflag:s13] =	ssyncset.done $0x0  }
0x1c8: {  	[sflag:s13] =	ssyncadd.s32 $0xFFFFE000  }
0x1c9: {  	_ =	sfence.sel $0x180000  }
0x1ca: {  	[bflag:$0x0] =	sbarrier.arrive $0xFFFF  }
0x1cb: {  	_ =	strace $0x90000047  }
0x1cc: {  	s31 =	stileid.u32;
	[bflag:$0x2] =	sbarrier.arrive $0xFFFF  }
0x1cd: {  	p0 =	sne.s32 s31, $0x0;
	s0 =	rddreg [dreg:$0x1]  }
0x1ce: {  	s0 =	sadd.s32 @!p0 $0x100000, s0  }
0x1cf: {  	[sflag:s0] =	ssyncadd.tile.s32 @!p0 $0x1;
	_ =	shalt  }
.LBB2_1:
.Ltmp3:
0x1d0: {  	(pc) =	sbr.rel .LBB2_6-.Ltmp3, $2  }
0x1d1: {  	_ =	sdelay $0x2  }
0x1d2: {  	s30 =	simm.s32 $0xF00  }
.LBB2_3:
.Ltmp4:
0x1d3: {  	(pc) =	sbr.rel .LBB2_6-.Ltmp4, $2  }
0x1d4: {  	_ =	sdelay $0x2  }
0x1d5: {  	s30 =	simm.s32 $0xF00  }
.Lfunc_end2:
_tile_overlayer_lowered:
.L_overlay_start_2:
0x1d6: {  	(tag) =	ssettag $0x2  }
0x1d7: {  	s0 =	rddreg [dreg:$0x0];
	s2 =	stileid.u32  }
0x1d8: {  	s1 =	rddreg [dreg:$0x1];
	p0 =	sne.s32 s2, $0x0  }
0x1d9: {  	s3 =	rddreg [dreg:$0x2];
	[bflag:$0x3] =	sbarrier.arrive $0xFFFF;
	s2 =	simm.s32 @!p0 $0x1C11  }
0x1da: {  	[timem:s3], [sflag:s2] =	dma.local @!p0 [hbm:s0], s1  }
0x1db: {  	s0 =	simm.s32 @!p0 $0x11  }
0x1dc: {  	_ =	swait.ge @!p0 [sflag:s0], s1  }
0x1dd: {  	s1 =	ssub.s32 @!p0 $0x0, s1;
	[sflag:s0] =	ssyncset.done @!p0 $0x0  }
0x1de: {  	[sflag:s0] =	ssyncadd.s32 @!p0 s1  }
0x1df: {  	[bflag:$0x3] =	sbarrier.arrive $0xFFFF  }
0x1e0: {  	_ =	shalt  }

</sc_bundles>
